<compile_context>
chip_gen: v7x
topology: tpu7x:2x2x1
jax: 0.10.2.dev20260603
libtpu: 0.0.44.dev20260713+nightly
codegen_flags: <defaults>
</compile_context>

<pallas_src>
import jax
import jax.numpy as jnp
from jax import lax
from jax.experimental import pallas as pl
from jax.experimental.pallas import tpu as pltpu
from jax.experimental.pallas import tpu_sc as plsc

N = 10000
E = 320000
D = 128

NC = 2
NS = 16

NPAD = 10240
RPT = NPAD // NS
CHUNK = 128
NCH = 80
EPAD = NC * NS * NCH * CHUNK
DCH = 128
DNCH = EPAD // (NC * NS) // DCH
DEGB = 8

_MESH = plsc.VectorSubcoreMesh(core_axis_name="c", subcore_axis_name="s")


def _deg_body(dst_hbm, deg2_hbm, idx_all, ones_v, zero_v, deg_sh, ssem):
    c = lax.axis_index("c")
    s = lax.axis_index("s")
    for i in range(DCH // 16):
        ones_v[pl.ds(i * 16, 16)] = jnp.ones((16,), jnp.float32)
    for i in range(RPT // 16):
        zero_v[pl.ds(i * 16, 16)] = jnp.zeros((16,), jnp.float32)
    pltpu.sync_copy(dst_hbm.at[c, s], idx_all)
    pltpu.sync_copy(zero_v, deg_sh.at[pl.ds(s * RPT, RPT)])
    plsc.subcore_barrier()

    @pl.loop(0, DNCH // DEGB)
    def _(p):
        descs = [
            pltpu.async_copy(ones_v, deg_sh.at[idx_all.at[p * DEGB + b]],
                             ssem, add=True)
            for b in range(DEGB)
        ]
        for d in descs:
            d.wait()

    plsc.subcore_barrier()
    pltpu.sync_copy(deg_sh.at[pl.ds(s * RPT, RPT)],
                    deg2_hbm.at[c, pl.ds(s * RPT, RPT)])


_deg_call = pl.kernel(
    _deg_body,
    out_type=jax.ShapeDtypeStruct((NC, NPAD), jnp.float32),
    mesh=_MESH,
    scratch_types=[
        pltpu.VMEM((DNCH, DCH), jnp.int32),
        pltpu.VMEM((DCH,), jnp.float32),
        pltpu.VMEM((RPT,), jnp.float32),
        pltpu.VMEM_SHARED((NPAD,), jnp.float32),
        pltpu.SemaphoreType.DMA,
    ],
)


def _edge_body(src_hbm, dst_hbm, y_hbm, z_hbm, acc2_hbm,
               sidx_v, didx_v, rows_v, acc_sh,
               gsem0, gsem1, ssem0, ssem1, dsem0, dsem1):
    c = lax.axis_index("c")
    s = lax.axis_index("s")
    gsem = (gsem0, gsem1)
    ssem = (ssem0, ssem1)
    dsem = (dsem0, dsem1)

    def fire_gather(k, p):
        pltpu.async_copy(y_hbm.at[sidx_v.at[p]], rows_v.at[k], gsem[k])

    def drain_gather(k, p):
        pltpu.make_async_copy(y_hbm.at[sidx_v.at[p]], rows_v.at[k],
                              gsem[k]).wait()

    def fire_scatter(k):
        pltpu.async_copy(rows_v.at[k], acc_sh.at[didx_v.at[k]], ssem[k],
                         add=True)

    def drain_scatter(k):
        pltpu.make_async_copy(rows_v.at[k], acc_sh.at[didx_v.at[k]],
                              ssem[k]).wait()

    def prefetch_didx(k, p):
        pltpu.async_copy(dst_hbm.at[c, s, p], didx_v.at[k], dsem[k])

    def wait_didx(k, p):
        pltpu.make_async_copy(dst_hbm.at[c, s, p], didx_v.at[k],
                              dsem[k]).wait()

    pltpu.sync_copy(src_hbm.at[c, s], sidx_v)
    prefetch_didx(0, 0)
    prefetch_didx(1, 1)

    @pl.when(c == 0)
    def _():
        pltpu.sync_copy(y_hbm.at[pl.ds(s * RPT, RPT)],
                        acc_sh.at[pl.ds(s * RPT, RPT)])

    @pl.when(c == 1)
    def _():
        pltpu.sync_copy(z_hbm, acc_sh.at[pl.ds(s * RPT, RPT)])

    fire_gather(0, 0)
    plsc.subcore_barrier()

    @pl.loop(0, NCH // 2)
    def _(t):
        p0 = 2 * t
        p1 = p0 + 1

        @pl.when(t > 0)
        def _():
            drain_scatter(1)
            prefetch_didx(1, p1)
        drain_gather(0, p0)
        wait_didx(0, p0)
        fire_scatter(0)
        fire_gather(1, p1)
        drain_scatter(0)

        @pl.when(p0 + 2 < NCH)
        def _():
            prefetch_didx(0, p0 + 2)
            fire_gather(0, p0 + 2)
        drain_gather(1, p1)
        wait_didx(1, p1)
        fire_scatter(1)

    drain_scatter(1)
    plsc.subcore_barrier()
    pltpu.sync_copy(acc_sh.at[pl.ds(s * RPT, RPT)],
                    acc2_hbm.at[c, pl.ds(s * RPT, RPT)])


_edge_call = pl.kernel(
    _edge_body,
    out_type=jax.ShapeDtypeStruct((NC, NPAD, D), jnp.float32),
    mesh=_MESH,
    scratch_types=[
        pltpu.VMEM((NCH, CHUNK), jnp.int32),
        pltpu.VMEM((2, CHUNK), jnp.int32),
        pltpu.VMEM((2, CHUNK, D), jnp.float32),
        pltpu.VMEM_SHARED((NPAD, D), jnp.float32),
        pltpu.SemaphoreType.DMA,
        pltpu.SemaphoreType.DMA,
        pltpu.SemaphoreType.DMA,
        pltpu.SemaphoreType.DMA,
        pltpu.SemaphoreType.DMA,
        pltpu.SemaphoreType.DMA,
    ],
)


def _mm_body(x_ref, w_ref, deg2_ref, y_ref):
    xw = jnp.dot(x_ref[...], w_ref[...], preferred_element_type=jnp.float32)
    deg = deg2_ref[0] + deg2_ref[1] + 1.0
    dis = lax.rsqrt(deg)
    y_ref[...] = xw * dis[:, None]


_MM_BLK = 1280


def _mm_call(x_pad, w, deg2):
    grid = NPAD // _MM_BLK
    return pl.pallas_call(
        _mm_body,
        grid=(grid,),
        in_specs=[
            pl.BlockSpec((_MM_BLK, D), lambda i: (i, 0)),
            pl.BlockSpec((D, D), lambda i: (0, 0)),
            pl.BlockSpec((NC, _MM_BLK), lambda i: (0, i)),
        ],
        out_specs=pl.BlockSpec((_MM_BLK, D), lambda i: (i, 0)),
        out_shape=jax.ShapeDtypeStruct((NPAD, D), jnp.float32),
    )(x_pad, w, deg2)


def _post_body(acc2_ref, deg2_ref, b_ref, gamma_ref, beta_ref, out_ref):
    deg = deg2_ref[0, :N] + deg2_ref[1, :N] + 1.0
    dis = lax.rsqrt(deg)[:, None]
    acc = acc2_ref[0, :N, :] + acc2_ref[1, :N, :]
    pre = acc * dis + b_ref[0]
    pre = jnp.where(pre >= 0, pre, 0.01 * pre)
    mean = jnp.mean(pre, axis=0, keepdims=True)
    cent = pre - mean
    var = jnp.mean(cent * cent, axis=0, keepdims=True)
    out_ref[...] = cent * (lax.rsqrt(var + 1e-5) * gamma_ref[0]) + beta_ref[0]


def _post_call(acc2, deg2, b, gamma, beta):
    return pl.pallas_call(
        _post_body,
        out_shape=jax.ShapeDtypeStruct((N, D), jnp.float32),
    )(acc2, deg2, b.reshape(1, D), gamma.reshape(1, D), beta.reshape(1, D))


def kernel(x, edge_index, W, b, gamma, beta):
    ei = edge_index.astype(jnp.int32)
    src, dst = ei[0], ei[1]
    pad_ids = N + (jnp.arange(EPAD - E, dtype=jnp.int32) % (NPAD - N))
    src_p = jnp.concatenate([src, pad_ids])
    dst_p = jnp.concatenate([dst, pad_ids])
    grp = (NC, NS, NCH, CHUNK)

    x_pad = jnp.pad(x, ((0, NPAD - N), (0, 0)))
    zeros = jnp.zeros((RPT, D), jnp.float32)

    deg2 = _deg_call(dst_p.reshape(NC, NS, DNCH, DCH))
    y = _mm_call(x_pad, W, deg2)
    acc2 = _edge_call(src_p.reshape(grp), dst_p.reshape(grp), y, zeros)
    return _post_call(acc2, deg2, b, gamma, beta)

# --- scband reference (transcript-rebuilt; emitter-appended) ---
"""Pipeline reference for scband-graph-conv-block-4604204941835 (READ-ONLY COPY).

The authoritative reference and input builder live on the scoring server;
editing this copy changes nothing except your own understanding.
"""

import jax, jax.numpy as jnp
import numpy as np

N_NODES = 10000
N_EDGES = 320000
D_IN = 128
D_OUT = 128


def setup_inputs(seed: int = 0) -> dict:
    key = jax.random.key(seed)
    k1, k2, k3, k4, k5, k6 = jax.random.split(key, 6)
    x = jax.random.normal(k1, (N_NODES, D_IN), dtype=jnp.float32)
    edge_index = jax.random.randint(k2, (2, N_EDGES), 0, N_NODES, dtype=jnp.int64)
    # GCNConv linear weight (glorot-style scale), no bias inside lin; conv bias separate
    limit = float(np.sqrt(6.0 / (D_IN + D_OUT)))
    W = jax.random.uniform(k3, (D_IN, D_OUT), dtype=jnp.float32, minval=-limit, maxval=limit)
    b = jnp.zeros((D_OUT,), dtype=jnp.float32)
    # BatchNorm affine params
    gamma = jnp.ones((D_OUT,), dtype=jnp.float32)
    beta = jnp.zeros((D_OUT,), dtype=jnp.float32)
    return {"x": x, "edge_index": edge_index, "W": W, "b": b, "gamma": gamma, "beta": beta}


def reference(x, edge_index, W, b, gamma, beta):
    N = x.shape[0]
    # --- GCNConv (PyG semantics): add self-loops, symmetric normalization ---
    src = edge_index[0]
    dst = edge_index[1]
    loop = jnp.arange(N, dtype=edge_index.dtype)
    src = jnp.concatenate([src, loop])
    dst = jnp.concatenate([dst, loop])
    xw = x @ W  # [N, D_OUT]
    ones = jnp.ones(dst.shape[0], dtype=xw.dtype)
    deg = jax.ops.segment_sum(ones, dst, num_segments=N)
    deg_inv_sqrt = jnp.where(deg > 0, jax.lax.rsqrt(deg), 0.0)
    norm = deg_inv_sqrt[src] * deg_inv_sqrt[dst]  # [E+N]
    msg = xw[src] * norm[:, None]  # gather + scale
    out = jax.ops.segment_sum(msg, dst, num_segments=N)  # scatter-add
    out = out + b
    # --- LeakyReLU (default negative_slope=0.01) ---
    out = jnp.where(out >= 0, out, 0.01 * out)
    # --- BatchNorm over nodes (training-mode batch stats, eps=1e-5) ---
    mean = jnp.mean(out, axis=0)
    var = jnp.var(out, axis=0)
    out = (out - mean) * jax.lax.rsqrt(var + 1e-5) * gamma + beta
    # dropout=False -> no dropout branch
    return out

if __name__ == "__main__":
    import jax
    _d = setup_inputs()
    print(jax.jit(kernel)(*tuple(_d.values())))

</pallas_src>

<mosaic_0001>
#map = affine_map<(d0, d1) -> (0, 0, 0, 0)>
#map1 = affine_map<(d0, d1) -> (0, 0)>
module attributes {stable_mosaic.version = 14 : i64} {
  func.func @_deg_body(%arg0: i32, %arg1: i32, %arg2: memref<2x16x80x128xi32, #tpu.memory_space<hbm>>, %arg3: memref<2x10240xf32, #tpu.memory_space<hbm>>, %arg4: memref<80x128xi32, #tpu.memory_space<vmem>>, %arg5: memref<128xf32, #tpu.memory_space<vmem>>, %arg6: memref<640xf32, #tpu.memory_space<vmem>>, %arg7: memref<10240xf32, #tpu.memory_space<vmem_shared>>, %arg8: memref<!tpu.dma_semaphore, #tpu.memory_space<semaphore_mem>>) attributes {dimension_semantics = [#tpu.dimension_semantics<core_parallel>, #tpu.dimension_semantics<subcore_parallel>], iteration_bounds = array<i64: 2, 16>, scalar_prefetch = 0 : i64, scratch_operands = 5 : i64, tpu.core_type = #tpu.core_type<sc_vector_subcore>, window_params = [{transform_indices = #map}, {transform_indices = #map1}]} {
    %broadcast_in_dim3A = arith.constant 1.000000e+00 : f32
    %broadcast_in_dim3A_0 = vector.broadcast %broadcast_in_dim3A : f32 to vector<16xf32>
    %swap3A = arith.constant 0 : index
    %swap3A_1 = tpu.vector_load %arg5[%swap3A] {strides = array<i32>} : memref<128xf32, #tpu.memory_space<vmem>>, vector<16xf32>,
    %swap3A_2 = vector.shape_cast %swap3A_1 : vector<16xf32> to vector<16xf32>
    %swap3A_3 = vector.shape_cast %broadcast_in_dim3A_0 : vector<16xf32> to vector<16xf32>
    tpu.vector_store %arg5[%swap3A], %swap3A_3 {strides = array<i32>} : memref<128xf32, #tpu.memory_space<vmem>>, vector<16xf32>,
    %broadcast_in_dim3A_4 = arith.constant 1.000000e+00 : f32
    %broadcast_in_dim3A_5 = vector.broadcast %broadcast_in_dim3A_4 : f32 to vector<16xf32>
    %swap3A_6 = arith.constant 16 : index
    %swap3A_7 = tpu.vector_load %arg5[%swap3A_6] {strides = array<i32>} : memref<128xf32, #tpu.memory_space<vmem>>, vector<16xf32>,
    %swap3A_8 = vector.shape_cast %swap3A_7 : vector<16xf32> to vector<16xf32>
    %swap3A_9 = vector.shape_cast %broadcast_in_dim3A_5 : vector<16xf32> to vector<16xf32>
    tpu.vector_store %arg5[%swap3A_6], %swap3A_9 {strides = array<i32>} : memref<128xf32, #tpu.memory_space<vmem>>, vector<16xf32>,
    %broadcast_in_dim3A_10 = arith.constant 1.000000e+00 : f32
    %broadcast_in_dim3A_11 = vector.broadcast %broadcast_in_dim3A_10 : f32 to vector<16xf32>
    %swap3A_12 = arith.constant 32 : index
    %swap3A_13 = tpu.vector_load %arg5[%swap3A_12] {strides = array<i32>} : memref<128xf32, #tpu.memory_space<vmem>>, vector<16xf32>,
    %swap3A_14 = vector.shape_cast %swap3A_13 : vector<16xf32> to vector<16xf32>
    %swap3A_15 = vector.shape_cast %broadcast_in_dim3A_11 : vector<16xf32> to vector<16xf32>
    tpu.vector_store %arg5[%swap3A_12], %swap3A_15 {strides = array<i32>} : memref<128xf32, #tpu.memory_space<vmem>>, vector<16xf32>,
    %broadcast_in_dim3A_16 = arith.constant 1.000000e+00 : f32
    %broadcast_in_dim3A_17 = vector.broadcast %broadcast_in_dim3A_16 : f32 to vector<16xf32>
    %swap3A_18 = arith.constant 48 : index
    %swap3A_19 = tpu.vector_load %arg5[%swap3A_18] {strides = array<i32>} : memref<128xf32, #tpu.memory_space<vmem>>, vector<16xf32>,
    %swap3A_20 = vector.shape_cast %swap3A_19 : vector<16xf32> to vector<16xf32>
    %swap3A_21 = vector.shape_cast %broadcast_in_dim3A_17 : vector<16xf32> to vector<16xf32>
    tpu.vector_store %arg5[%swap3A_18], %swap3A_21 {strides = array<i32>} : memref<128xf32, #tpu.memory_space<vmem>>, vector<16xf32>,
    %broadcast_in_dim3A_22 = arith.constant 1.000000e+00 : f32
    %broadcast_in_dim3A_23 = vector.broadcast %broadcast_in_dim3A_22 : f32 to vector<16xf32>
    %swap3A_24 = arith.constant 64 : index
    %swap3A_25 = tpu.vector_load %arg5[%swap3A_24] {strides = array<i32>} : memref<128xf32, #tpu.memory_space<vmem>>, vector<16xf32>,
    %swap3A_26 = vector.shape_cast %swap3A_25 : vector<16xf32> to vector<16xf32>
    %swap3A_27 = vector.shape_cast %broadcast_in_dim3A_23 : vector<16xf32> to vector<16xf32>
    tpu.vector_store %arg5[%swap3A_24], %swap3A_27 {strides = array<i32>} : memref<128xf32, #tpu.memory_space<vmem>>, vector<16xf32>,
    %broadcast_in_dim3A_28 = arith.constant 1.000000e+00 : f32
    %broadcast_in_dim3A_29 = vector.broadcast %broadcast_in_dim3A_28 : f32 to vector<16xf32>
    %swap3A_30 = arith.constant 80 : index
    %swap3A_31 = tpu.vector_load %arg5[%swap3A_30] {strides = array<i32>} : memref<128xf32, #tpu.memory_space<vmem>>, vector<16xf32>,
    %swap3A_32 = vector.shape_cast %swap3A_31 : vector<16xf32> to vector<16xf32>
    %swap3A_33 = vector.shape_cast %broadcast_in_dim3A_29 : vector<16xf32> to vector<16xf32>
    tpu.vector_store %arg5[%swap3A_30], %swap3A_33 {strides = array<i32>} : memref<128xf32, #tpu.memory_space<vmem>>, vector<16xf32>,
    %broadcast_in_dim3A_34 = arith.constant 1.000000e+00 : f32
    %broadcast_in_dim3A_35 = vector.broadcast %broadcast_in_dim3A_34 : f32 to vector<16xf32>
    %swap3A_36 = arith.constant 96 : index
    %swap3A_37 = tpu.vector_load %arg5[%swap3A_36] {strides = array<i32>} : memref<128xf32, #tpu.memory_space<vmem>>, vector<16xf32>,
    %swap3A_38 = vector.shape_cast %swap3A_37 : vector<16xf32> to vector<16xf32>
    %swap3A_39 = vector.shape_cast %broadcast_in_dim3A_35 : vector<16xf32> to vector<16xf32>
    tpu.vector_store %arg5[%swap3A_36], %swap3A_39 {strides = array<i32>} : memref<128xf32, #tpu.memory_space<vmem>>, vector<16xf32>,
    %broadcast_in_dim3A_40 = arith.constant 1.000000e+00 : f32
    %broadcast_in_dim3A_41 = vector.broadcast %broadcast_in_dim3A_40 : f32 to vector<16xf32>
    %swap3A_42 = arith.constant 112 : index
    %swap3A_43 = tpu.vector_load %arg5[%swap3A_42] {strides = array<i32>} : memref<128xf32, #tpu.memory_space<vmem>>, vector<16xf32>,
    %swap3A_44 = vector.shape_cast %swap3A_43 : vector<16xf32> to vector<16xf32>
    %swap3A_45 = vector.shape_cast %broadcast_in_dim3A_41 : vector<16xf32> to vector<16xf32>
    tpu.vector_store %arg5[%swap3A_42], %swap3A_45 {strides = array<i32>} : memref<128xf32, #tpu.memory_space<vmem>>, vector<16xf32>,
    %broadcast_in_dim3A_46 = arith.constant 0.000000e+00 : f32
    %broadcast_in_dim3A_47 = vector.broadcast %broadcast_in_dim3A_46 : f32 to vector<16xf32>
    %swap3A_48 = arith.constant 0 : index
    %swap3A_49 = tpu.vector_load %arg6[%swap3A_48] {strides = array<i32>} : memref<640xf32, #tpu.memory_space<vmem>>, vector<16xf32>,
    %swap3A_50 = vector.shape_cast %swap3A_49 : vector<16xf32> to vector<16xf32>
    %swap3A_51 = vector.shape_cast %broadcast_in_dim3A_47 : vector<16xf32> to vector<16xf32>
    tpu.vector_store %arg6[%swap3A_48], %swap3A_51 {strides = array<i32>} : memref<640xf32, #tpu.memory_space<vmem>>, vector<16xf32>,
    %broadcast_in_dim3A_52 = arith.constant 0.000000e+00 : f32
    %broadcast_in_dim3A_53 = vector.broadcast %broadcast_in_dim3A_52 : f32 to vector<16xf32>
    %swap3A_54 = arith.constant 16 : index
    %swap3A_55 = tpu.vector_load %arg6[%swap3A_54] {strides = array<i32>} : memref<640xf32, #tpu.memory_space<vmem>>, vector<16xf32>,
    %swap3A_56 = vector.shape_cast %swap3A_55 : vector<16xf32> to vector<16xf32>
    %swap3A_57 = vector.shape_cast %broadcast_in_dim3A_53 : vector<16xf32> to vector<16xf32>
    tpu.vector_store %arg6[%swap3A_54], %swap3A_57 {strides = array<i32>} : memref<640xf32, #tpu.memory_space<vmem>>, vector<16xf32>,
    %broadcast_in_dim3A_58 = arith.constant 0.000000e+00 : f32
    %broadcast_in_dim3A_59 = vector.broadcast %broadcast_in_dim3A_58 : f32 to vector<16xf32>
    %swap3A_60 = arith.constant 32 : index
    %swap3A_61 = tpu.vector_load %arg6[%swap3A_60] {strides = array<i32>} : memref<640xf32, #tpu.memory_space<vmem>>, vector<16xf32>,
    %swap3A_62 = vector.shape_cast %swap3A_61 : vector<16xf32> to vector<16xf32>
    %swap3A_63 = vector.shape_cast %broadcast_in_dim3A_59 : vector<16xf32> to vector<16xf32>
    tpu.vector_store %arg6[%swap3A_60], %swap3A_63 {strides = array<i32>} : memref<640xf32, #tpu.memory_space<vmem>>, vector<16xf32>,
    %broadcast_in_dim3A_64 = arith.constant 0.000000e+00 : f32
    %broadcast_in_dim3A_65 = vector.broadcast %broadcast_in_dim3A_64 : f32 to vector<16xf32>
    %swap3A_66 = arith.constant 48 : index
    %swap3A_67 = tpu.vector_load %arg6[%swap3A_66] {strides = array<i32>} : memref<640xf32, #tpu.memory_space<vmem>>, vector<16xf32>,
    %swap3A_68 = vector.shape_cast %swap3A_67 : vector<16xf32> to vector<16xf32>
    %swap3A_69 = vector.shape_cast %broadcast_in_dim3A_65 : vector<16xf32> to vector<16xf32>
    tpu.vector_store %arg6[%swap3A_66], %swap3A_69 {strides = array<i32>} : memref<640xf32, #tpu.memory_space<vmem>>, vector<16xf32>,
    %broadcast_in_dim3A_70 = arith.constant 0.000000e+00 : f32
    %broadcast_in_dim3A_71 = vector.broadcast %broadcast_in_dim3A_70 : f32 to vector<16xf32>
    %swap3A_72 = arith.constant 64 : index
    %swap3A_73 = tpu.vector_load %arg6[%swap3A_72] {strides = array<i32>} : memref<640xf32, #tpu.memory_space<vmem>>, vector<16xf32>,
    %swap3A_74 = vector.shape_cast %swap3A_73 : vector<16xf32> to vector<16xf32>
    %swap3A_75 = vector.shape_cast %broadcast_in_dim3A_71 : vector<16xf32> to vector<16xf32>
    tpu.vector_store %arg6[%swap3A_72], %swap3A_75 {strides = array<i32>} : memref<640xf32, #tpu.memory_space<vmem>>, vector<16xf32>,
    %broadcast_in_dim3A_76 = arith.constant 0.000000e+00 : f32
    %broadcast_in_dim3A_77 = vector.broadcast %broadcast_in_dim3A_76 : f32 to vector<16xf32>
    %swap3A_78 = arith.constant 80 : index
    %swap3A_79 = tpu.vector_load %arg6[%swap3A_78] {strides = array<i32>} : memref<640xf32, #tpu.memory_space<vmem>>, vector<16xf32>,
    %swap3A_80 = vector.shape_cast %swap3A_79 : vector<16xf32> to vector<16xf32>
    %swap3A_81 = vector.shape_cast %broadcast_in_dim3A_77 : vector<16xf32> to vector<16xf32>
    tpu.vector_store %arg6[%swap3A_78], %swap3A_81 {strides = array<i32>} : memref<640xf32, #tpu.memory_space<vmem>>, vector<16xf32>,
    %broadcast_in_dim3A_82 = arith.constant 0.000000e+00 : f32
    %broadcast_in_dim3A_83 = vector.broadcast %broadcast_in_dim3A_82 : f32 to vector<16xf32>
    %swap3A_84 = arith.constant 96 : index
    %swap3A_85 = tpu.vector_load %arg6[%swap3A_84] {strides = array<i32>} : memref<640xf32, #tpu.memory_space<vmem>>, vector<16xf32>,
    %swap3A_86 = vector.shape_cast %swap3A_85 : vector<16xf32> to vector<16xf32>
    %swap3A_87 = vector.shape_cast %broadcast_in_dim3A_83 : vector<16xf32> to vector<16xf32>
    tpu.vector_store %arg6[%swap3A_84], %swap3A_87 {strides = array<i32>} : memref<640xf32, #tpu.memory_space<vmem>>, vector<16xf32>,
    %broadcast_in_dim3A_88 = arith.constant 0.000000e+00 : f32
    %broadcast_in_dim3A_89 = vector.broadcast %broadcast_in_dim3A_88 : f32 to vector<16xf32>
    %swap3A_90 = arith.constant 112 : index
    %swap3A_91 = tpu.vector_load %arg6[%swap3A_90] {strides = array<i32>} : memref<640xf32, #tpu.memory_space<vmem>>, vector<16xf32>,
    %swap3A_92 = vector.shape_cast %swap3A_91 : vector<16xf32> to vector<16xf32>
    %swap3A_93 = vector.shape_cast %broadcast_in_dim3A_89 : vector<16xf32> to vector<16xf32>
    tpu.vector_store %arg6[%swap3A_90], %swap3A_93 {strides = array<i32>} : memref<640xf32, #tpu.memory_space<vmem>>, vector<16xf32>,
    %broadcast_in_dim3A_94 = arith.constant 0.000000e+00 : f32
    %broadcast_in_dim3A_95 = vector.broadcast %broadcast_in_dim3A_94 : f32 to vector<16xf32>
    %swap3A_96 = arith.constant 128 : index
    %swap3A_97 = tpu.vector_load %arg6[%swap3A_96] {strides = array<i32>} : memref<640xf32, #tpu.memory_space<vmem>>, vector<16xf32>,
    %swap3A_98 = vector.shape_cast %swap3A_97 : vector<16xf32> to vector<16xf32>
    %swap3A_99 = vector.shape_cast %broadcast_in_dim3A_95 : vector<16xf32> to vector<16xf32>
    tpu.vector_store %arg6[%swap3A_96], %swap3A_99 {strides = array<i32>} : memref<640xf32, #tpu.memory_space<vmem>>, vector<16xf32>,
    %broadcast_in_dim3A_100 = arith.constant 0.000000e+00 : f32
    %broadcast_in_dim3A_101 = vector.broadcast %broadcast_in_dim3A_100 : f32 to vector<16xf32>
    %swap3A_102 = arith.constant 144 : index
    %swap3A_103 = tpu.vector_load %arg6[%swap3A_102] {strides = array<i32>} : memref<640xf32, #tpu.memory_space<vmem>>, vector<16xf32>,
    %swap3A_104 = vector.shape_cast %swap3A_103 : vector<16xf32> to vector<16xf32>
    %swap3A_105 = vector.shape_cast %broadcast_in_dim3A_101 : vector<16xf32> to vector<16xf32>
    tpu.vector_store %arg6[%swap3A_102], %swap3A_105 {strides = array<i32>} : memref<640xf32, #tpu.memory_space<vmem>>, vector<16xf32>,
    %broadcast_in_dim3A_106 = arith.constant 0.000000e+00 : f32
    %broadcast_in_dim3A_107 = vector.broadcast %broadcast_in_dim3A_106 : f32 to vector<16xf32>
    %swap3A_108 = arith.constant 160 : index
    %swap3A_109 = tpu.vector_load %arg6[%swap3A_108] {strides = array<i32>} : memref<640xf32, #tpu.memory_space<vmem>>, vector<16xf32>,
    %swap3A_110 = vector.shape_cast %swap3A_109 : vector<16xf32> to vector<16xf32>
    %swap3A_111 = vector.shape_cast %broadcast_in_dim3A_107 : vector<16xf32> to vector<16xf32>
    tpu.vector_store %arg6[%swap3A_108], %swap3A_111 {strides = array<i32>} : memref<640xf32, #tpu.memory_space<vmem>>, vector<16xf32>,
    %broadcast_in_dim3A_112 = arith.constant 0.000000e+00 : f32
    %broadcast_in_dim3A_113 = vector.broadcast %broadcast_in_dim3A_112 : f32 to vector<16xf32>
    %swap3A_114 = arith.constant 176 : index
    %swap3A_115 = tpu.vector_load %arg6[%swap3A_114] {strides = array<i32>} : memref<640xf32, #tpu.memory_space<vmem>>, vector<16xf32>,
    %swap3A_116 = vector.shape_cast %swap3A_115 : vector<16xf32> to vector<16xf32>
    %swap3A_117 = vector.shape_cast %broadcast_in_dim3A_113 : vector<16xf32> to vector<16xf32>
    tpu.vector_store %arg6[%swap3A_114], %swap3A_117 {strides = array<i32>} : memref<640xf32, #tpu.memory_space<vmem>>, vector<16xf32>,
    %broadcast_in_dim3A_118 = arith.constant 0.000000e+00 : f32
    %broadcast_in_dim3A_119 = vector.broadcast %broadcast_in_dim3A_118 : f32 to vector<16xf32>
    %swap3A_120 = arith.constant 192 : index
    %swap3A_121 = tpu.vector_load %arg6[%swap3A_120] {strides = array<i32>} : memref<640xf32, #tpu.memory_space<vmem>>, vector<16xf32>,
    %swap3A_122 = vector.shape_cast %swap3A_121 : vector<16xf32> to vector<16xf32>
    %swap3A_123 = vector.shape_cast %broadcast_in_dim3A_119 : vector<16xf32> to vector<16xf32>
    tpu.vector_store %arg6[%swap3A_120], %swap3A_123 {strides = array<i32>} : memref<640xf32, #tpu.memory_space<vmem>>, vector<16xf32>,
    %broadcast_in_dim3A_124 = arith.constant 0.000000e+00 : f32
    %broadcast_in_dim3A_125 = vector.broadcast %broadcast_in_dim3A_124 : f32 to vector<16xf32>
    %swap3A_126 = arith.constant 208 : index
    %swap3A_127 = tpu.vector_load %arg6[%swap3A_126] {strides = array<i32>} : memref<640xf32, #tpu.memory_space<vmem>>, vector<16xf32>,
    %swap3A_128 = vector.shape_cast %swap3A_127 : vector<16xf32> to vector<16xf32>
    %swap3A_129 = vector.shape_cast %broadcast_in_dim3A_125 : vector<16xf32> to vector<16xf32>
    tpu.vector_store %arg6[%swap3A_126], %swap3A_129 {strides = array<i32>} : memref<640xf32, #tpu.memory_space<vmem>>, vector<16xf32>,
    %broadcast_in_dim3A_130 = arith.constant 0.000000e+00 : f32
    %broadcast_in_dim3A_131 = vector.broadcast %broadcast_in_dim3A_130 : f32 to vector<16xf32>
    %swap3A_132 = arith.constant 224 : index
    %swap3A_133 = tpu.vector_load %arg6[%swap3A_132] {strides = array<i32>} : memref<640xf32, #tpu.memory_space<vmem>>, vector<16xf32>,
    %swap3A_134 = vector.shape_cast %swap3A_133 : vector<16xf32> to vector<16xf32>
    %swap3A_135 = vector.shape_cast %broadcast_in_dim3A_131 : vector<16xf32> to vector<16xf32>
    tpu.vector_store %arg6[%swap3A_132], %swap3A_135 {strides = array<i32>} : memref<640xf32, #tpu.memory_space<vmem>>, vector<16xf32>,
    %broadcast_in_dim3A_136 = arith.constant 0.000000e+00 : f32
    %broadcast_in_dim3A_137 = vector.broadcast %broadcast_in_dim3A_136 : f32 to vector<16xf32>
    %swap3A_138 = arith.constant 240 : index
    %swap3A_139 = tpu.vector_load %arg6[%swap3A_138] {strides = array<i32>} : memref<640xf32, #tpu.memory_space<vmem>>, vector<16xf32>,
    %swap3A_140 = vector.shape_cast %swap3A_139 : vector<16xf32> to vector<16xf32>
    %swap3A_141 = vector.shape_cast %broadcast_in_dim3A_137 : vector<16xf32> to vector<16xf32>
    tpu.vector_store %arg6[%swap3A_138], %swap3A_141 {strides = array<i32>} : memref<640xf32, #tpu.memory_space<vmem>>, vector<16xf32>,
    %broadcast_in_dim3A_142 = arith.constant 0.000000e+00 : f32
    %broadcast_in_dim3A_143 = vector.broadcast %broadcast_in_dim3A_142 : f32 to vector<16xf32>
    %swap3A_144 = arith.constant 256 : index
    %swap3A_145 = tpu.vector_load %arg6[%swap3A_144] {strides = array<i32>} : memref<640xf32, #tpu.memory_space<vmem>>, vector<16xf32>,
    %swap3A_146 = vector.shape_cast %swap3A_145 : vector<16xf32> to vector<16xf32>
    %swap3A_147 = vector.shape_cast %broadcast_in_dim3A_143 : vector<16xf32> to vector<16xf32>
    tpu.vector_store %arg6[%swap3A_144], %swap3A_147 {strides = array<i32>} : memref<640xf32, #tpu.memory_space<vmem>>, vector<16xf32>,
    %broadcast_in_dim3A_148 = arith.constant 0.000000e+00 : f32
    %broadcast_in_dim3A_149 = vector.broadcast %broadcast_in_dim3A_148 : f32 to vector<16xf32>
    %swap3A_150 = arith.constant 272 : index
    %swap3A_151 = tpu.vector_load %arg6[%swap3A_150] {strides = array<i32>} : memref<640xf32, #tpu.memory_space<vmem>>, vector<16xf32>,
    %swap3A_152 = vector.shape_cast %swap3A_151 : vector<16xf32> to vector<16xf32>
    %swap3A_153 = vector.shape_cast %broadcast_in_dim3A_149 : vector<16xf32> to vector<16xf32>
    tpu.vector_store %arg6[%swap3A_150], %swap3A_153 {strides = array<i32>} : memref<640xf32, #tpu.memory_space<vmem>>, vector<16xf32>,
    %broadcast_in_dim3A_154 = arith.constant 0.000000e+00 : f32
    %broadcast_in_dim3A_155 = vector.broadcast %broadcast_in_dim3A_154 : f32 to vector<16xf32>
    %swap3A_156 = arith.constant 288 : index
    %swap3A_157 = tpu.vector_load %arg6[%swap3A_156] {strides = array<i32>} : memref<640xf32, #tpu.memory_space<vmem>>, vector<16xf32>,
    %swap3A_158 = vector.shape_cast %swap3A_157 : vector<16xf32> to vector<16xf32>
    %swap3A_159 = vector.shape_cast %broadcast_in_dim3A_155 : vector<16xf32> to vector<16xf32>
    tpu.vector_store %arg6[%swap3A_156], %swap3A_159 {strides = array<i32>} : memref<640xf32, #tpu.memory_space<vmem>>, vector<16xf32>,
    %broadcast_in_dim3A_160 = arith.constant 0.000000e+00 : f32
    %broadcast_in_dim3A_161 = vector.broadcast %broadcast_in_dim3A_160 : f32 to vector<16xf32>
    %swap3A_162 = arith.constant 304 : index
    %swap3A_163 = tpu.vector_load %arg6[%swap3A_162] {strides = array<i32>} : memref<640xf32, #tpu.memory_space<vmem>>, vector<16xf32>,
    %swap3A_164 = vector.shape_cast %swap3A_163 : vector<16xf32> to vector<16xf32>
    %swap3A_165 = vector.shape_cast %broadcast_in_dim3A_161 : vector<16xf32> to vector<16xf32>
    tpu.vector_store %arg6[%swap3A_162], %swap3A_165 {strides = array<i32>} : memref<640xf32, #tpu.memory_space<vmem>>, vector<16xf32>,
    %broadcast_in_dim3A_166 = arith.constant 0.000000e+00 : f32
    %broadcast_in_dim3A_167 = vector.broadcast %broadcast_in_dim3A_166 : f32 to vector<16xf32>
    %swap3A_168 = arith.constant 320 : index
    %swap3A_169 = tpu.vector_load %arg6[%swap3A_168] {strides = array<i32>} : memref<640xf32, #tpu.memory_space<vmem>>, vector<16xf32>,
    %swap3A_170 = vector.shape_cast %swap3A_169 : vector<16xf32> to vector<16xf32>
    %swap3A_171 = vector.shape_cast %broadcast_in_dim3A_167 : vector<16xf32> to vector<16xf32>
    tpu.vector_store %arg6[%swap3A_168], %swap3A_171 {strides = array<i32>} : memref<640xf32, #tpu.memory_space<vmem>>, vector<16xf32>,
    %broadcast_in_dim3A_172 = arith.constant 0.000000e+00 : f32
    %broadcast_in_dim3A_173 = vector.broadcast %broadcast_in_dim3A_172 : f32 to vector<16xf32>
    %swap3A_174 = arith.constant 336 : index
    %swap3A_175 = tpu.vector_load %arg6[%swap3A_174] {strides = array<i32>} : memref<640xf32, #tpu.memory_space<vmem>>, vector<16xf32>,
    %swap3A_176 = vector.shape_cast %swap3A_175 : vector<16xf32> to vector<16xf32>
    %swap3A_177 = vector.shape_cast %broadcast_in_dim3A_173 : vector<16xf32> to vector<16xf32>
    tpu.vector_store %arg6[%swap3A_174], %swap3A_177 {strides = array<i32>} : memref<640xf32, #tpu.memory_space<vmem>>, vector<16xf32>,
    %broadcast_in_dim3A_178 = arith.constant 0.000000e+00 : f32
    %broadcast_in_dim3A_179 = vector.broadcast %broadcast_in_dim3A_178 : f32 to vector<16xf32>
    %swap3A_180 = arith.constant 352 : index
    %swap3A_181 = tpu.vector_load %arg6[%swap3A_180] {strides = array<i32>} : memref<640xf32, #tpu.memory_space<vmem>>, vector<16xf32>,
    %swap3A_182 = vector.shape_cast %swap3A_181 : vector<16xf32> to vector<16xf32>
    %swap3A_183 = vector.shape_cast %broadcast_in_dim3A_179 : vector<16xf32> to vector<16xf32>
    tpu.vector_store %arg6[%swap3A_180], %swap3A_183 {strides = array<i32>} : memref<640xf32, #tpu.memory_space<vmem>>, vector<16xf32>,
    %broadcast_in_dim3A_184 = arith.constant 0.000000e+00 : f32
    %broadcast_in_dim3A_185 = vector.broadcast %broadcast_in_dim3A_184 : f32 to vector<16xf32>
    %swap3A_186 = arith.constant 368 : index
    %swap3A_187 = tpu.vector_load %arg6[%swap3A_186] {strides = array<i32>} : memref<640xf32, #tpu.memory_space<vmem>>, vector<16xf32>,
    %swap3A_188 = vector.shape_cast %swap3A_187 : vector<16xf32> to vector<16xf32>
    %swap3A_189 = vector.shape_cast %broadcast_in_dim3A_185 : vector<16xf32> to vector<16xf32>
    tpu.vector_store %arg6[%swap3A_186], %swap3A_189 {strides = array<i32>} : memref<640xf32, #tpu.memory_space<vmem>>, vector<16xf32>,
    %broadcast_in_dim3A_190 = arith.constant 0.000000e+00 : f32
    %broadcast_in_dim3A_191 = vector.broadcast %broadcast_in_dim3A_190 : f32 to vector<16xf32>
    %swap3A_192 = arith.constant 384 : index
    %swap3A_193 = tpu.vector_load %arg6[%swap3A_192] {strides = array<i32>} : memref<640xf32, #tpu.memory_space<vmem>>, vector<16xf32>,
    %swap3A_194 = vector.shape_cast %swap3A_193 : vector<16xf32> to vector<16xf32>
    %swap3A_195 = vector.shape_cast %broadcast_in_dim3A_191 : vector<16xf32> to vector<16xf32>
    tpu.vector_store %arg6[%swap3A_192], %swap3A_195 {strides = array<i32>} : memref<640xf32, #tpu.memory_space<vmem>>, vector<16xf32>,
    %broadcast_in_dim3A_196 = arith.constant 0.000000e+00 : f32
    %broadcast_in_dim3A_197 = vector.broadcast %broadcast_in_dim3A_196 : f32 to vector<16xf32>
    %swap3A_198 = arith.constant 400 : index
    %swap3A_199 = tpu.vector_load %arg6[%swap3A_198] {strides = array<i32>} : memref<640xf32, #tpu.memory_space<vmem>>, vector<16xf32>,
    %swap3A_200 = vector.shape_cast %swap3A_199 : vector<16xf32> to vector<16xf32>
    %swap3A_201 = vector.shape_cast %broadcast_in_dim3A_197 : vector<16xf32> to vector<16xf32>
    tpu.vector_store %arg6[%swap3A_198], %swap3A_201 {strides = array<i32>} : memref<640xf32, #tpu.memory_space<vmem>>, vector<16xf32>,
    %broadcast_in_dim3A_202 = arith.constant 0.000000e+00 : f32
    %broadcast_in_dim3A_203 = vector.broadcast %broadcast_in_dim3A_202 : f32 to vector<16xf32>
    %swap3A_204 = arith.constant 416 : index
    %swap3A_205 = tpu.vector_load %arg6[%swap3A_204] {strides = array<i32>} : memref<640xf32, #tpu.memory_space<vmem>>, vector<16xf32>,
    %swap3A_206 = vector.shape_cast %swap3A_205 : vector<16xf32> to vector<16xf32>
    %swap3A_207 = vector.shape_cast %broadcast_in_dim3A_203 : vector<16xf32> to vector<16xf32>
    tpu.vector_store %arg6[%swap3A_204], %swap3A_207 {strides = array<i32>} : memref<640xf32, #tpu.memory_space<vmem>>, vector<16xf32>,
    %broadcast_in_dim3A_208 = arith.constant 0.000000e+00 : f32
    %broadcast_in_dim3A_209 = vector.broadcast %broadcast_in_dim3A_208 : f32 to vector<16xf32>
    %swap3A_210 = arith.constant 432 : index
    %swap3A_211 = tpu.vector_load %arg6[%swap3A_210] {strides = array<i32>} : memref<640xf32, #tpu.memory_space<vmem>>, vector<16xf32>,
    %swap3A_212 = vector.shape_cast %swap3A_211 : vector<16xf32> to vector<16xf32>
    %swap3A_213 = vector.shape_cast %broadcast_in_dim3A_209 : vector<16xf32> to vector<16xf32>
    tpu.vector_store %arg6[%swap3A_210], %swap3A_213 {strides = array<i32>} : memref<640xf32, #tpu.memory_space<vmem>>, vector<16xf32>,
    %broadcast_in_dim3A_214 = arith.constant 0.000000e+00 : f32
    %broadcast_in_dim3A_215 = vector.broadcast %broadcast_in_dim3A_214 : f32 to vector<16xf32>
    %swap3A_216 = arith.constant 448 : index
    %swap3A_217 = tpu.vector_load %arg6[%swap3A_216] {strides = array<i32>} : memref<640xf32, #tpu.memory_space<vmem>>, vector<16xf32>,
    %swap3A_218 = vector.shape_cast %swap3A_217 : vector<16xf32> to vector<16xf32>
    %swap3A_219 = vector.shape_cast %broadcast_in_dim3A_215 : vector<16xf32> to vector<16xf32>
    tpu.vector_store %arg6[%swap3A_216], %swap3A_219 {strides = array<i32>} : memref<640xf32, #tpu.memory_space<vmem>>, vector<16xf32>,
    %broadcast_in_dim3A_220 = arith.constant 0.000000e+00 : f32
    %broadcast_in_dim3A_221 = vector.broadcast %broadcast_in_dim3A_220 : f32 to vector<16xf32>
    %swap3A_222 = arith.constant 464 : index
    %swap3A_223 = tpu.vector_load %arg6[%swap3A_222] {strides = array<i32>} : memref<640xf32, #tpu.memory_space<vmem>>, vector<16xf32>,
    %swap3A_224 = vector.shape_cast %swap3A_223 : vector<16xf32> to vector<16xf32>
    %swap3A_225 = vector.shape_cast %broadcast_in_dim3A_221 : vector<16xf32> to vector<16xf32>
    tpu.vector_store %arg6[%swap3A_222], %swap3A_225 {strides = array<i32>} : memref<640xf32, #tpu.memory_space<vmem>>, vector<16xf32>,
    %broadcast_in_dim3A_226 = arith.constant 0.000000e+00 : f32
    %broadcast_in_dim3A_227 = vector.broadcast %broadcast_in_dim3A_226 : f32 to vector<16xf32>
    %swap3A_228 = arith.constant 480 : index
    %swap3A_229 = tpu.vector_load %arg6[%swap3A_228] {strides = array<i32>} : memref<640xf32, #tpu.memory_space<vmem>>, vector<16xf32>,
    %swap3A_230 = vector.shape_cast %swap3A_229 : vector<16xf32> to vector<16xf32>
    %swap3A_231 = vector.shape_cast %broadcast_in_dim3A_227 : vector<16xf32> to vector<16xf32>
    tpu.vector_store %arg6[%swap3A_228], %swap3A_231 {strides = array<i32>} : memref<640xf32, #tpu.memory_space<vmem>>, vector<16xf32>,
    %broadcast_in_dim3A_232 = arith.constant 0.000000e+00 : f32
    %broadcast_in_dim3A_233 = vector.broadcast %broadcast_in_dim3A_232 : f32 to vector<16xf32>
    %swap3A_234 = arith.constant 496 : index
    %swap3A_235 = tpu.vector_load %arg6[%swap3A_234] {strides = array<i32>} : memref<640xf32, #tpu.memory_space<vmem>>, vector<16xf32>,
    %swap3A_236 = vector.shape_cast %swap3A_235 : vector<16xf32> to vector<16xf32>
    %swap3A_237 = vector.shape_cast %broadcast_in_dim3A_233 : vector<16xf32> to vector<16xf32>
    tpu.vector_store %arg6[%swap3A_234], %swap3A_237 {strides = array<i32>} : memref<640xf32, #tpu.memory_space<vmem>>, vector<16xf32>,
    %broadcast_in_dim3A_238 = arith.constant 0.000000e+00 : f32
    %broadcast_in_dim3A_239 = vector.broadcast %broadcast_in_dim3A_238 : f32 to vector<16xf32>
    %swap3A_240 = arith.constant 512 : index
    %swap3A_241 = tpu.vector_load %arg6[%swap3A_240] {strides = array<i32>} : memref<640xf32, #tpu.memory_space<vmem>>, vector<16xf32>,
    %swap3A_242 = vector.shape_cast %swap3A_241 : vector<16xf32> to vector<16xf32>
    %swap3A_243 = vector.shape_cast %broadcast_in_dim3A_239 : vector<16xf32> to vector<16xf32>
    tpu.vector_store %arg6[%swap3A_240], %swap3A_243 {strides = array<i32>} : memref<640xf32, #tpu.memory_space<vmem>>, vector<16xf32>,
    %broadcast_in_dim3A_244 = arith.constant 0.000000e+00 : f32
    %broadcast_in_dim3A_245 = vector.broadcast %broadcast_in_dim3A_244 : f32 to vector<16xf32>
    %swap3A_246 = arith.constant 528 : index
    %swap3A_247 = tpu.vector_load %arg6[%swap3A_246] {strides = array<i32>} : memref<640xf32, #tpu.memory_space<vmem>>, vector<16xf32>,
    %swap3A_248 = vector.shape_cast %swap3A_247 : vector<16xf32> to vector<16xf32>
    %swap3A_249 = vector.shape_cast %broadcast_in_dim3A_245 : vector<16xf32> to vector<16xf32>
    tpu.vector_store %arg6[%swap3A_246], %swap3A_249 {strides = array<i32>} : memref<640xf32, #tpu.memory_space<vmem>>, vector<16xf32>,
    %broadcast_in_dim3A_250 = arith.constant 0.000000e+00 : f32
    %broadcast_in_dim3A_251 = vector.broadcast %broadcast_in_dim3A_250 : f32 to vector<16xf32>
    %swap3A_252 = arith.constant 544 : index
    %swap3A_253 = tpu.vector_load %arg6[%swap3A_252] {strides = array<i32>} : memref<640xf32, #tpu.memory_space<vmem>>, vector<16xf32>,
    %swap3A_254 = vector.shape_cast %swap3A_253 : vector<16xf32> to vector<16xf32>
    %swap3A_255 = vector.shape_cast %broadcast_in_dim3A_251 : vector<16xf32> to vector<16xf32>
    tpu.vector_store %arg6[%swap3A_252], %swap3A_255 {strides = array<i32>} : memref<640xf32, #tpu.memory_space<vmem>>, vector<16xf32>,
    %broadcast_in_dim3A_256 = arith.constant 0.000000e+00 : f32
    %broadcast_in_dim3A_257 = vector.broadcast %broadcast_in_dim3A_256 : f32 to vector<16xf32>
    %swap3A_258 = arith.constant 560 : index
    %swap3A_259 = tpu.vector_load %arg6[%swap3A_258] {strides = array<i32>} : memref<640xf32, #tpu.memory_space<vmem>>, vector<16xf32>,
    %swap3A_260 = vector.shape_cast %swap3A_259 : vector<16xf32> to vector<16xf32>
    %swap3A_261 = vector.shape_cast %broadcast_in_dim3A_257 : vector<16xf32> to vector<16xf32>
    tpu.vector_store %arg6[%swap3A_258], %swap3A_261 {strides = array<i32>} : memref<640xf32, #tpu.memory_space<vmem>>, vector<16xf32>,
    %broadcast_in_dim3A_262 = arith.constant 0.000000e+00 : f32
    %broadcast_in_dim3A_263 = vector.broadcast %broadcast_in_dim3A_262 : f32 to vector<16xf32>
    %swap3A_264 = arith.constant 576 : index
    %swap3A_265 = tpu.vector_load %arg6[%swap3A_264] {strides = array<i32>} : memref<640xf32, #tpu.memory_space<vmem>>, vector<16xf32>,
    %swap3A_266 = vector.shape_cast %swap3A_265 : vector<16xf32> to vector<16xf32>
    %swap3A_267 = vector.shape_cast %broadcast_in_dim3A_263 : vector<16xf32> to vector<16xf32>
    tpu.vector_store %arg6[%swap3A_264], %swap3A_267 {strides = array<i32>} : memref<640xf32, #tpu.memory_space<vmem>>, vector<16xf32>,
    %broadcast_in_dim3A_268 = arith.constant 0.000000e+00 : f32
    %broadcast_in_dim3A_269 = vector.broadcast %broadcast_in_dim3A_268 : f32 to vector<16xf32>
    %swap3A_270 = arith.constant 592 : index
    %swap3A_271 = tpu.vector_load %arg6[%swap3A_270] {strides = array<i32>} : memref<640xf32, #tpu.memory_space<vmem>>, vector<16xf32>,
    %swap3A_272 = vector.shape_cast %swap3A_271 : vector<16xf32> to vector<16xf32>
    %swap3A_273 = vector.shape_cast %broadcast_in_dim3A_269 : vector<16xf32> to vector<16xf32>
    tpu.vector_store %arg6[%swap3A_270], %swap3A_273 {strides = array<i32>} : memref<640xf32, #tpu.memory_space<vmem>>, vector<16xf32>,
    %broadcast_in_dim3A_274 = arith.constant 0.000000e+00 : f32
    %broadcast_in_dim3A_275 = vector.broadcast %broadcast_in_dim3A_274 : f32 to vector<16xf32>
    %swap3A_276 = arith.constant 608 : index
    %swap3A_277 = tpu.vector_load %arg6[%swap3A_276] {strides = array<i32>} : memref<640xf32, #tpu.memory_space<vmem>>, vector<16xf32>,
    %swap3A_278 = vector.shape_cast %swap3A_277 : vector<16xf32> to vector<16xf32>
    %swap3A_279 = vector.shape_cast %broadcast_in_dim3A_275 : vector<16xf32> to vector<16xf32>
    tpu.vector_store %arg6[%swap3A_276], %swap3A_279 {strides = array<i32>} : memref<640xf32, #tpu.memory_space<vmem>>, vector<16xf32>,
    %broadcast_in_dim3A_280 = arith.constant 0.000000e+00 : f32
    %broadcast_in_dim3A_281 = vector.broadcast %broadcast_in_dim3A_280 : f32 to vector<16xf32>
    %swap3A_282 = arith.constant 624 : index
    %swap3A_283 = tpu.vector_load %arg6[%swap3A_282] {strides = array<i32>} : memref<640xf32, #tpu.memory_space<vmem>>, vector<16xf32>,
    %swap3A_284 = vector.shape_cast %swap3A_283 : vector<16xf32> to vector<16xf32>
    %swap3A_285 = vector.shape_cast %broadcast_in_dim3A_281 : vector<16xf32> to vector<16xf32>
    tpu.vector_store %arg6[%swap3A_282], %swap3A_285 {strides = array<i32>} : memref<640xf32, #tpu.memory_space<vmem>>, vector<16xf32>,
    "tpu.region"() ({
      %run_scoped3A = tpu.sem_alloc : memref<!tpu.dma_semaphore, #tpu.memory_space<semaphore_mem>>
      %dma_start3A = arith.constant 0 : i32
      %dma_start3A_296 = arith.constant 0 : i32
      %dma_start3A_297 = tpu.memref_slice %arg2[%arg0, %arg1, %dma_start3A, %dma_start3A_296] : memref<2x16x80x128xi32, #tpu.memory_space<hbm>> -> memref<1x1x80x128xi32, #tpu.memory_space<hbm>>
      %dma_start3A_298 = tpu.memref_squeeze %dma_start3A_297 : memref<1x1x80x128xi32, #tpu.memory_space<hbm>> -> memref<80x128xi32, #tpu.memory_space<hbm>>
      %dma_start3A_299 = arith.constant 0 : i32
      %dma_start3A_300 = arith.constant 0 : i32
      %dma_start3A_301 = tpu.memref_slice %arg2[%arg0, %arg1, %dma_start3A_299, %dma_start3A_300] : memref<2x16x80x128xi32, #tpu.memory_space<hbm>> -> memref<1x1x80x128xi32, #tpu.memory_space<hbm>>
      %dma_start3A_302 = tpu.memref_squeeze %dma_start3A_301 : memref<1x1x80x128xi32, #tpu.memory_space<hbm>> -> memref<80x128xi32, #tpu.memory_space<hbm>>
      tpu.enqueue_dma source(%dma_start3A_302 : memref<80x128xi32, #tpu.memory_space<hbm>>) target(%arg4 : memref<80x128xi32, #tpu.memory_space<vmem>>) target_semaphore(%run_scoped3A : memref<!tpu.dma_semaphore, #tpu.memory_space<semaphore_mem>>)
      %dma_wait3A = arith.constant 0 : i32
      %dma_wait3A_303 = arith.constant 0 : i32
      %dma_wait3A_304 = tpu.memref_slice %arg2[%arg0, %arg1, %dma_wait3A, %dma_wait3A_303] : memref<2x16x80x128xi32, #tpu.memory_space<hbm>> -> memref<1x1x80x128xi32, #tpu.memory_space<hbm>>
      %dma_wait3A_305 = tpu.memref_squeeze %dma_wait3A_304 : memref<1x1x80x128xi32, #tpu.memory_space<hbm>> -> memref<80x128xi32, #tpu.memory_space<hbm>>
      %dma_wait3A_306 = arith.constant 0 : i32
      %dma_wait3A_307 = arith.constant 0 : i32
      %dma_wait3A_308 = tpu.memref_slice %arg2[%arg0, %arg1, %dma_wait3A_306, %dma_wait3A_307] : memref<2x16x80x128xi32, #tpu.memory_space<hbm>> -> memref<1x1x80x128xi32, #tpu.memory_space<hbm>>
      %dma_wait3A_309 = tpu.memref_squeeze %dma_wait3A_308 : memref<1x1x80x128xi32, #tpu.memory_space<hbm>> -> memref<80x128xi32, #tpu.memory_space<hbm>>
      tpu.wait_dma2 semaphore(%run_scoped3A : memref<!tpu.dma_semaphore, #tpu.memory_space<semaphore_mem>>) src(%dma_wait3A_309 : memref<80x128xi32, #tpu.memory_space<hbm>>) dst(%arg4 : memref<80x128xi32, #tpu.memory_space<vmem>>)
      tpu.yield
    }) : () -> ()
    %mul3A = arith.constant 640 : i32
    %mul3A_286 = arith.muli %arg1, %mul3A : i32
    "tpu.region"() ({
      %run_scoped3A = tpu.sem_alloc : memref<!tpu.dma_semaphore, #tpu.memory_space<semaphore_mem>>
      %dma_start3A = tpu.memref_slice %arg7[%mul3A_286] : memref<10240xf32, #tpu.memory_space<vmem_shared>> -> memref<640xf32, #tpu.memory_space<vmem_shared>>
      %dma_start3A_296 = tpu.memref_slice %arg7[%mul3A_286] : memref<10240xf32, #tpu.memory_space<vmem_shared>> -> memref<640xf32, #tpu.memory_space<vmem_shared>>
      tpu.enqueue_dma source(%arg6 : memref<640xf32, #tpu.memory_space<vmem>>) target(%dma_start3A_296 : memref<640xf32, #tpu.memory_space<vmem_shared>>) target_semaphore(%run_scoped3A : memref<!tpu.dma_semaphore, #tpu.memory_space<semaphore_mem>>)
      %dma_wait3A = tpu.memref_slice %arg7[%mul3A_286] : memref<10240xf32, #tpu.memory_space<vmem_shared>> -> memref<640xf32, #tpu.memory_space<vmem_shared>>
      %dma_wait3A_297 = tpu.memref_slice %arg7[%mul3A_286] : memref<10240xf32, #tpu.memory_space<vmem_shared>> -> memref<640xf32, #tpu.memory_space<vmem_shared>>
      tpu.wait_dma2 semaphore(%run_scoped3A : memref<!tpu.dma_semaphore, #tpu.memory_space<semaphore_mem>>) src(%arg6 : memref<640xf32, #tpu.memory_space<vmem>>) dst(%dma_wait3A_297 : memref<640xf32, #tpu.memory_space<vmem_shared>>)
      tpu.yield
    }) : () -> ()
    %barrier3A = arith.constant 0 : index
    tpu.barrier barrier_id(%barrier3A)
    %scan3A = arith.constant 0 : i32
    %scan3A_287 = arith.constant 10 : i32
    %scan3A_288 = arith.addi %scan3A, %scan3A_287 : i32
    %scan3A_289 = arith.constant 1 : i32
    scf.for %scan3A_296 = %scan3A to %scan3A_288 step %scan3A_289  : i32 {
      %mul3A_297 = arith.constant 1 : i32
      %mul3A_298 = arith.muli %scan3A_296, %mul3A_297 : i32
      %add3A = arith.constant 0 : i32
      %add3A_299 = arith.addi %add3A, %mul3A_298 : i32
      %mul3A_300 = arith.constant 8 : i32
      %mul3A_301 = arith.muli %add3A_299, %mul3A_300 : i32
      %add3A_302 = arith.constant 0 : i32
      %add3A_303 = arith.addi %mul3A_301, %add3A_302 : i32
      %dma_start3A = arith.constant 0 : i32
      %dma_start3A_304 = tpu.memref_slice %arg4[%add3A_303, %dma_start3A] : memref<80x128xi32, #tpu.memory_space<vmem>> -> memref<1x128xi32, #tpu.memory_space<vmem>>
      %dma_start3A_305 = tpu.memref_squeeze %dma_start3A_304 : memref<1x128xi32, #tpu.memory_space<vmem>> -> memref<128xi32, #tpu.memory_space<vmem>>
      %dma_start3A_306 = arith.constant 0 : i32
      %dma_start3A_307 = tpu.memref_slice %arg7[%dma_start3A_306] : memref<10240xf32, #tpu.memory_space<vmem_shared>> -> memref<10240xf32, #tpu.memory_space<vmem_shared>>
      tpu.enqueue_indirect_dma source(%arg5 : memref<128xf32, #tpu.memory_space<vmem>>) target(%dma_start3A_307 : memref<10240xf32, #tpu.memory_space<vmem_shared>>) offsets(%dma_start3A_305 : memref<128xi32, #tpu.memory_space<vmem>>) semaphore(%arg8 : memref<!tpu.dma_semaphore, #tpu.memory_space<semaphore_mem>>) {add = true}
      %mul3A_308 = arith.constant 8 : i32
      %mul3A_309 = arith.muli %add3A_299, %mul3A_308 : i32
      %add3A_310 = arith.constant 1 : i32
      %add3A_311 = arith.addi %mul3A_309, %add3A_310 : i32
      %dma_start3A_312 = arith.constant 0 : i32
      %dma_start3A_313 = tpu.memref_slice %arg4[%add3A_311, %dma_start3A_312] : memref<80x128xi32, #tpu.memory_space<vmem>> -> memref<1x128xi32, #tpu.memory_space<vmem>>
      %dma_start3A_314 = tpu.memref_squeeze %dma_start3A_313 : memref<1x128xi32, #tpu.memory_space<vmem>> -> memref<128xi32, #tpu.memory_space<vmem>>
      %dma_start3A_315 = arith.constant 0 : i32
      %dma_start3A_316 = tpu.memref_slice %arg7[%dma_start3A_315] : memref<10240xf32, #tpu.memory_space<vmem_shared>> -> memref<10240xf32, #tpu.memory_space<vmem_shared>>
      tpu.enqueue_indirect_dma source(%arg5 : memref<128xf32, #tpu.memory_space<vmem>>) target(%dma_start3A_316 : memref<10240xf32, #tpu.memory_space<vmem_shared>>) offsets(%dma_start3A_314 : memref<128xi32, #tpu.memory_space<vmem>>) semaphore(%arg8 : memref<!tpu.dma_semaphore, #tpu.memory_space<semaphore_mem>>) {add = true}
      %mul3A_317 = arith.constant 8 : i32
      %mul3A_318 = arith.muli %add3A_299, %mul3A_317 : i32
      %add3A_319 = arith.constant 2 : i32
      %add3A_320 = arith.addi %mul3A_318, %add3A_319 : i32
      %dma_start3A_321 = arith.constant 0 : i32
      %dma_start3A_322 = tpu.memref_slice %arg4[%add3A_320, %dma_start3A_321] : memref<80x128xi32, #tpu.memory_space<vmem>> -> memref<1x128xi32, #tpu.memory_space<vmem>>
      %dma_start3A_323 = tpu.memref_squeeze %dma_start3A_322 : memref<1x128xi32, #tpu.memory_space<vmem>> -> memref<128xi32, #tpu.memory_space<vmem>>
      %dma_start3A_324 = arith.constant 0 : i32
      %dma_start3A_325 = tpu.memref_slice %arg7[%dma_start3A_324] : memref<10240xf32, #tpu.memory_space<vmem_shared>> -> memref<10240xf32, #tpu.memory_space<vmem_shared>>
      tpu.enqueue_indirect_dma source(%arg5 : memref<128xf32, #tpu.memory_space<vmem>>) target(%dma_start3A_325 : memref<10240xf32, #tpu.memory_space<vmem_shared>>) offsets(%dma_start3A_323 : memref<128xi32, #tpu.memory_space<vmem>>) semaphore(%arg8 : memref<!tpu.dma_semaphore, #tpu.memory_space<semaphore_mem>>) {add = true}
      %mul3A_326 = arith.constant 8 : i32
      %mul3A_327 = arith.muli %add3A_299, %mul3A_326 : i32
      %add3A_328 = arith.constant 3 : i32
      %add3A_329 = arith.addi %mul3A_327, %add3A_328 : i32
      %dma_start3A_330 = arith.constant 0 : i32
      %dma_start3A_331 = tpu.memref_slice %arg4[%add3A_329, %dma_start3A_330] : memref<80x128xi32, #tpu.memory_space<vmem>> -> memref<1x128xi32, #tpu.memory_space<vmem>>
      %dma_start3A_332 = tpu.memref_squeeze %dma_start3A_331 : memref<1x128xi32, #tpu.memory_space<vmem>> -> memref<128xi32, #tpu.memory_space<vmem>>
      %dma_start3A_333 = arith.constant 0 : i32
      %dma_start3A_334 = tpu.memref_slice %arg7[%dma_start3A_333] : memref<10240xf32, #tpu.memory_space<vmem_shared>> -> memref<10240xf32, #tpu.memory_space<vmem_shared>>
      tpu.enqueue_indirect_dma source(%arg5 : memref<128xf32, #tpu.memory_space<vmem>>) target(%dma_start3A_334 : memref<10240xf32, #tpu.memory_space<vmem_shared>>) offsets(%dma_start3A_332 : memref<128xi32, #tpu.memory_space<vmem>>) semaphore(%arg8 : memref<!tpu.dma_semaphore, #tpu.memory_space<semaphore_mem>>) {add = true}
      %mul3A_335 = arith.constant 8 : i32
      %mul3A_336 = arith.muli %add3A_299, %mul3A_335 : i32
      %add3A_337 = arith.constant 4 : i32
      %add3A_338 = arith.addi %mul3A_336, %add3A_337 : i32
      %dma_start3A_339 = arith.constant 0 : i32
      %dma_start3A_340 = tpu.memref_slice %arg4[%add3A_338, %dma_start3A_339] : memref<80x128xi32, #tpu.memory_space<vmem>> -> memref<1x128xi32, #tpu.memory_space<vmem>>
      %dma_start3A_341 = tpu.memref_squeeze %dma_start3A_340 : memref<1x128xi32, #tpu.memory_space<vmem>> -> memref<128xi32, #tpu.memory_space<vmem>>
      %dma_start3A_342 = arith.constant 0 : i32
      %dma_start3A_343 = tpu.memref_slice %arg7[%dma_start3A_342] : memref<10240xf32, #tpu.memory_space<vmem_shared>> -> memref<10240xf32, #tpu.memory_space<vmem_shared>>
      tpu.enqueue_indirect_dma source(%arg5 : memref<128xf32, #tpu.memory_space<vmem>>) target(%dma_start3A_343 : memref<10240xf32, #tpu.memory_space<vmem_shared>>) offsets(%dma_start3A_341 : memref<128xi32, #tpu.memory_space<vmem>>) semaphore(%arg8 : memref<!tpu.dma_semaphore, #tpu.memory_space<semaphore_mem>>) {add = true}
      %mul3A_344 = arith.constant 8 : i32
      %mul3A_345 = arith.muli %add3A_299, %mul3A_344 : i32
      %add3A_346 = arith.constant 5 : i32
      %add3A_347 = arith.addi %mul3A_345, %add3A_346 : i32
      %dma_start3A_348 = arith.constant 0 : i32
      %dma_start3A_349 = tpu.memref_slice %arg4[%add3A_347, %dma_start3A_348] : memref<80x128xi32, #tpu.memory_space<vmem>> -> memref<1x128xi32, #tpu.memory_space<vmem>>
      %dma_start3A_350 = tpu.memref_squeeze %dma_start3A_349 : memref<1x128xi32, #tpu.memory_space<vmem>> -> memref<128xi32, #tpu.memory_space<vmem>>
      %dma_start3A_351 = arith.constant 0 : i32
      %dma_start3A_352 = tpu.memref_slice %arg7[%dma_start3A_351] : memref<10240xf32, #tpu.memory_space<vmem_shared>> -> memref<10240xf32, #tpu.memory_space<vmem_shared>>
      tpu.enqueue_indirect_dma source(%arg5 : memref<128xf32, #tpu.memory_space<vmem>>) target(%dma_start3A_352 : memref<10240xf32, #tpu.memory_space<vmem_shared>>) offsets(%dma_start3A_350 : memref<128xi32, #tpu.memory_space<vmem>>) semaphore(%arg8 : memref<!tpu.dma_semaphore, #tpu.memory_space<semaphore_mem>>) {add = true}
      %mul3A_353 = arith.constant 8 : i32
      %mul3A_354 = arith.muli %add3A_299, %mul3A_353 : i32
      %add3A_355 = arith.constant 6 : i32
      %add3A_356 = arith.addi %mul3A_354, %add3A_355 : i32
      %dma_start3A_357 = arith.constant 0 : i32
      %dma_start3A_358 = tpu.memref_slice %arg4[%add3A_356, %dma_start3A_357] : memref<80x128xi32, #tpu.memory_space<vmem>> -> memref<1x128xi32, #tpu.memory_space<vmem>>
      %dma_start3A_359 = tpu.memref_squeeze %dma_start3A_358 : memref<1x128xi32, #tpu.memory_space<vmem>> -> memref<128xi32, #tpu.memory_space<vmem>>
      %dma_start3A_360 = arith.constant 0 : i32
      %dma_start3A_361 = tpu.memref_slice %arg7[%dma_start3A_360] : memref<10240xf32, #tpu.memory_space<vmem_shared>> -> memref<10240xf32, #tpu.memory_space<vmem_shared>>
      tpu.enqueue_indirect_dma source(%arg5 : memref<128xf32, #tpu.memory_space<vmem>>) target(%dma_start3A_361 : memref<10240xf32, #tpu.memory_space<vmem_shared>>) offsets(%dma_start3A_359 : memref<128xi32, #tpu.memory_space<vmem>>) semaphore(%arg8 : memref<!tpu.dma_semaphore, #tpu.memory_space<semaphore_mem>>) {add = true}
      %mul3A_362 = arith.constant 8 : i32
      %mul3A_363 = arith.muli %add3A_299, %mul3A_362 : i32
      %add3A_364 = arith.constant 7 : i32
      %add3A_365 = arith.addi %mul3A_363, %add3A_364 : i32
      %dma_start3A_366 = arith.constant 0 : i32
      %dma_start3A_367 = tpu.memref_slice %arg4[%add3A_365, %dma_start3A_366] : memref<80x128xi32, #tpu.memory_space<vmem>> -> memref<1x128xi32, #tpu.memory_space<vmem>>
      %dma_start3A_368 = tpu.memref_squeeze %dma_start3A_367 : memref<1x128xi32, #tpu.memory_space<vmem>> -> memref<128xi32, #tpu.memory_space<vmem>>
      %dma_start3A_369 = arith.constant 0 : i32
      %dma_start3A_370 = tpu.memref_slice %arg7[%dma_start3A_369] : memref<10240xf32, #tpu.memory_space<vmem_shared>> -> memref<10240xf32, #tpu.memory_space<vmem_shared>>
      tpu.enqueue_indirect_dma source(%arg5 : memref<128xf32, #tpu.memory_space<vmem>>) target(%dma_start3A_370 : memref<10240xf32, #tpu.memory_space<vmem_shared>>) offsets(%dma_start3A_368 : memref<128xi32, #tpu.memory_space<vmem>>) semaphore(%arg8 : memref<!tpu.dma_semaphore, #tpu.memory_space<semaphore_mem>>) {add = true}
      %dma_wait3A = arith.constant 0 : i32
      %dma_wait3A_371 = tpu.memref_slice %arg4[%add3A_303, %dma_wait3A] : memref<80x128xi32, #tpu.memory_space<vmem>> -> memref<1x128xi32, #tpu.memory_space<vmem>>
      %dma_wait3A_372 = tpu.memref_squeeze %dma_wait3A_371 : memref<1x128xi32, #tpu.memory_space<vmem>> -> memref<128xi32, #tpu.memory_space<vmem>>
      %dma_wait3A_373 = arith.constant 0 : i32
      %dma_wait3A_374 = tpu.memref_slice %arg7[%dma_wait3A_373] : memref<10240xf32, #tpu.memory_space<vmem_shared>> -> memref<10240xf32, #tpu.memory_space<vmem_shared>>
      tpu.wait_indirect_dma semaphore(%arg8 : memref<!tpu.dma_semaphore, #tpu.memory_space<semaphore_mem>>) src(%arg5 : memref<128xf32, #tpu.memory_space<vmem>>) dst(%dma_wait3A_374 : memref<10240xf32, #tpu.memory_space<vmem_shared>>)
      %dma_wait3A_375 = arith.constant 0 : i32
      %dma_wait3A_376 = tpu.memref_slice %arg4[%add3A_311, %dma_wait3A_375] : memref<80x128xi32, #tpu.memory_space<vmem>> -> memref<1x128xi32, #tpu.memory_space<vmem>>
      %dma_wait3A_377 = tpu.memref_squeeze %dma_wait3A_376 : memref<1x128xi32, #tpu.memory_space<vmem>> -> memref<128xi32, #tpu.memory_space<vmem>>
      %dma_wait3A_378 = arith.constant 0 : i32
      %dma_wait3A_379 = tpu.memref_slice %arg7[%dma_wait3A_378] : memref<10240xf32, #tpu.memory_space<vmem_shared>> -> memref<10240xf32, #tpu.memory_space<vmem_shared>>
      tpu.wait_indirect_dma semaphore(%arg8 : memref<!tpu.dma_semaphore, #tpu.memory_space<semaphore_mem>>) src(%arg5 : memref<128xf32, #tpu.memory_space<vmem>>) dst(%dma_wait3A_379 : memref<10240xf32, #tpu.memory_space<vmem_shared>>)
      %dma_wait3A_380 = arith.constant 0 : i32
      %dma_wait3A_381 = tpu.memref_slice %arg4[%add3A_320, %dma_wait3A_380] : memref<80x128xi32, #tpu.memory_space<vmem>> -> memref<1x128xi32, #tpu.memory_space<vmem>>
      %dma_wait3A_382 = tpu.memref_squeeze %dma_wait3A_381 : memref<1x128xi32, #tpu.memory_space<vmem>> -> memref<128xi32, #tpu.memory_space<vmem>>
      %dma_wait3A_383 = arith.constant 0 : i32
      %dma_wait3A_384 = tpu.memref_slice %arg7[%dma_wait3A_383] : memref<10240xf32, #tpu.memory_space<vmem_shared>> -> memref<10240xf32, #tpu.memory_space<vmem_shared>>
      tpu.wait_indirect_dma semaphore(%arg8 : memref<!tpu.dma_semaphore, #tpu.memory_space<semaphore_mem>>) src(%arg5 : memref<128xf32, #tpu.memory_space<vmem>>) dst(%dma_wait3A_384 : memref<10240xf32, #tpu.memory_space<vmem_shared>>)
      %dma_wait3A_385 = arith.constant 0 : i32
      %dma_wait3A_386 = tpu.memref_slice %arg4[%add3A_329, %dma_wait3A_385] : memref<80x128xi32, #tpu.memory_space<vmem>> -> memref<1x128xi32, #tpu.memory_space<vmem>>
      %dma_wait3A_387 = tpu.memref_squeeze %dma_wait3A_386 : memref<1x128xi32, #tpu.memory_space<vmem>> -> memref<128xi32, #tpu.memory_space<vmem>>
      %dma_wait3A_388 = arith.constant 0 : i32
      %dma_wait3A_389 = tpu.memref_slice %arg7[%dma_wait3A_388] : memref<10240xf32, #tpu.memory_space<vmem_shared>> -> memref<10240xf32, #tpu.memory_space<vmem_shared>>
      tpu.wait_indirect_dma semaphore(%arg8 : memref<!tpu.dma_semaphore, #tpu.memory_space<semaphore_mem>>) src(%arg5 : memref<128xf32, #tpu.memory_space<vmem>>) dst(%dma_wait3A_389 : memref<10240xf32, #tpu.memory_space<vmem_shared>>)
      %dma_wait3A_390 = arith.constant 0 : i32
      %dma_wait3A_391 = tpu.memref_slice %arg4[%add3A_338, %dma_wait3A_390] : memref<80x128xi32, #tpu.memory_space<vmem>> -> memref<1x128xi32, #tpu.memory_space<vmem>>
      %dma_wait3A_392 = tpu.memref_squeeze %dma_wait3A_391 : memref<1x128xi32, #tpu.memory_space<vmem>> -> memref<128xi32, #tpu.memory_space<vmem>>
      %dma_wait3A_393 = arith.constant 0 : i32
      %dma_wait3A_394 = tpu.memref_slice %arg7[%dma_wait3A_393] : memref<10240xf32, #tpu.memory_space<vmem_shared>> -> memref<10240xf32, #tpu.memory_space<vmem_shared>>
      tpu.wait_indirect_dma semaphore(%arg8 : memref<!tpu.dma_semaphore, #tpu.memory_space<semaphore_mem>>) src(%arg5 : memref<128xf32, #tpu.memory_space<vmem>>) dst(%dma_wait3A_394 : memref<10240xf32, #tpu.memory_space<vmem_shared>>)
      %dma_wait3A_395 = arith.constant 0 : i32
      %dma_wait3A_396 = tpu.memref_slice %arg4[%add3A_347, %dma_wait3A_395] : memref<80x128xi32, #tpu.memory_space<vmem>> -> memref<1x128xi32, #tpu.memory_space<vmem>>
      %dma_wait3A_397 = tpu.memref_squeeze %dma_wait3A_396 : memref<1x128xi32, #tpu.memory_space<vmem>> -> memref<128xi32, #tpu.memory_space<vmem>>
      %dma_wait3A_398 = arith.constant 0 : i32
      %dma_wait3A_399 = tpu.memref_slice %arg7[%dma_wait3A_398] : memref<10240xf32, #tpu.memory_space<vmem_shared>> -> memref<10240xf32, #tpu.memory_space<vmem_shared>>
      tpu.wait_indirect_dma semaphore(%arg8 : memref<!tpu.dma_semaphore, #tpu.memory_space<semaphore_mem>>) src(%arg5 : memref<128xf32, #tpu.memory_space<vmem>>) dst(%dma_wait3A_399 : memref<10240xf32, #tpu.memory_space<vmem_shared>>)
      %dma_wait3A_400 = arith.constant 0 : i32
      %dma_wait3A_401 = tpu.memref_slice %arg4[%add3A_356, %dma_wait3A_400] : memref<80x128xi32, #tpu.memory_space<vmem>> -> memref<1x128xi32, #tpu.memory_space<vmem>>
      %dma_wait3A_402 = tpu.memref_squeeze %dma_wait3A_401 : memref<1x128xi32, #tpu.memory_space<vmem>> -> memref<128xi32, #tpu.memory_space<vmem>>
      %dma_wait3A_403 = arith.constant 0 : i32
      %dma_wait3A_404 = tpu.memref_slice %arg7[%dma_wait3A_403] : memref<10240xf32, #tpu.memory_space<vmem_shared>> -> memref<10240xf32, #tpu.memory_space<vmem_shared>>
      tpu.wait_indirect_dma semaphore(%arg8 : memref<!tpu.dma_semaphore, #tpu.memory_space<semaphore_mem>>) src(%arg5 : memref<128xf32, #tpu.memory_space<vmem>>) dst(%dma_wait3A_404 : memref<10240xf32, #tpu.memory_space<vmem_shared>>)
      %dma_wait3A_405 = arith.constant 0 : i32
      %dma_wait3A_406 = tpu.memref_slice %arg4[%add3A_365, %dma_wait3A_405] : memref<80x128xi32, #tpu.memory_space<vmem>> -> memref<1x128xi32, #tpu.memory_space<vmem>>
      %dma_wait3A_407 = tpu.memref_squeeze %dma_wait3A_406 : memref<1x128xi32, #tpu.memory_space<vmem>> -> memref<128xi32, #tpu.memory_space<vmem>>
      %dma_wait3A_408 = arith.constant 0 : i32
      %dma_wait3A_409 = tpu.memref_slice %arg7[%dma_wait3A_408] : memref<10240xf32, #tpu.memory_space<vmem_shared>> -> memref<10240xf32, #tpu.memory_space<vmem_shared>>
      tpu.wait_indirect_dma semaphore(%arg8 : memref<!tpu.dma_semaphore, #tpu.memory_space<semaphore_mem>>) src(%arg5 : memref<128xf32, #tpu.memory_space<vmem>>) dst(%dma_wait3A_409 : memref<10240xf32, #tpu.memory_space<vmem_shared>>)
    }
    %scan3A_290 = arith.constant 10 : i32
    %barrier3A_291 = arith.constant 0 : index
    tpu.barrier barrier_id(%barrier3A_291)
    %mul3A_292 = arith.constant 640 : i32
    %mul3A_293 = arith.muli %arg1, %mul3A_292 : i32
    %mul3A_294 = arith.constant 640 : i32
    %mul3A_295 = arith.muli %arg1, %mul3A_294 : i32
    "tpu.region"() ({
      %run_scoped3A = tpu.sem_alloc : memref<!tpu.dma_semaphore, #tpu.memory_space<semaphore_mem>>
      %dma_start3A = tpu.memref_slice %arg3[%arg0, %mul3A_295] : memref<2x10240xf32, #tpu.memory_space<hbm>> -> memref<1x640xf32, #tpu.memory_space<hbm>>
      %dma_start3A_296 = tpu.memref_squeeze %dma_start3A : memref<1x640xf32, #tpu.memory_space<hbm>> -> memref<640xf32, #tpu.memory_space<hbm>>
      %dma_start3A_297 = tpu.memref_slice %arg7[%mul3A_293] : memref<10240xf32, #tpu.memory_space<vmem_shared>> -> memref<640xf32, #tpu.memory_space<vmem_shared>>
      tpu.enqueue_dma source(%dma_start3A_297 : memref<640xf32, #tpu.memory_space<vmem_shared>>) target(%dma_start3A_296 : memref<640xf32, #tpu.memory_space<hbm>>) target_semaphore(%run_scoped3A : memref<!tpu.dma_semaphore, #tpu.memory_space<semaphore_mem>>)
      %dma_wait3A = tpu.memref_slice %arg3[%arg0, %mul3A_295] : memref<2x10240xf32, #tpu.memory_space<hbm>> -> memref<1x640xf32, #tpu.memory_space<hbm>>
      %dma_wait3A_298 = tpu.memref_squeeze %dma_wait3A : memref<1x640xf32, #tpu.memory_space<hbm>> -> memref<640xf32, #tpu.memory_space<hbm>>
      %dma_wait3A_299 = tpu.memref_slice %arg7[%mul3A_293] : memref<10240xf32, #tpu.memory_space<vmem_shared>> -> memref<640xf32, #tpu.memory_space<vmem_shared>>
      tpu.wait_dma2 semaphore(%run_scoped3A : memref<!tpu.dma_semaphore, #tpu.memory_space<semaphore_mem>>) src(%dma_wait3A_299 : memref<640xf32, #tpu.memory_space<vmem_shared>>) dst(%dma_wait3A_298 : memref<640xf32, #tpu.memory_space<hbm>>)
      tpu.yield
    }) : () -> ()
    return
  }
}

#map = affine_map<(d0, d1) -> (0, 0, 0, 0)>
#map1 = affine_map<(d0, d1) -> (0, 0)>
#map2 = affine_map<(d0, d1) -> (0, 0, 0)>
module attributes {stable_mosaic.version = 14 : i64} {
  func.func @_edge_body(%arg0: i32, %arg1: i32, %arg2: memref<2x16x80x128xi32, #tpu.memory_space<hbm>>, %arg3: memref<2x16x80x128xi32, #tpu.memory_space<hbm>>, %arg4: memref<10240x128xf32, #tpu.memory_space<hbm>>, %arg5: memref<640x128xf32, #tpu.memory_space<hbm>>, %arg6: memref<2x10240x128xf32, #tpu.memory_space<hbm>>, %arg7: memref<80x128xi32, #tpu.memory_space<vmem>>, %arg8: memref<2x128xi32, #tpu.memory_space<vmem>>, %arg9: memref<2x128x128xf32, #tpu.memory_space<vmem>>, %arg10: memref<10240x128xf32, #tpu.memory_space<vmem_shared>>, %arg11: memref<!tpu.dma_semaphore, #tpu.memory_space<semaphore_mem>>, %arg12: memref<!tpu.dma_semaphore, #tpu.memory_space<semaphore_mem>>, %arg13: memref<!tpu.dma_semaphore, #tpu.memory_space<semaphore_mem>>, %arg14: memref<!tpu.dma_semaphore, #tpu.memory_space<semaphore_mem>>, %arg15: memref<!tpu.dma_semaphore, #tpu.memory_space<semaphore_mem>>, %arg16: memref<!tpu.dma_semaphore, #tpu.memory_space<semaphore_mem>>) attributes {dimension_semantics = [#tpu.dimension_semantics<core_parallel>, #tpu.dimension_semantics<subcore_parallel>], iteration_bounds = array<i64: 2, 16>, scalar_prefetch = 0 : i64, scratch_operands = 10 : i64, tpu.core_type = #tpu.core_type<sc_vector_subcore>, window_params = [{transform_indices = #map}, {transform_indices = #map}, {transform_indices = #map1}, {transform_indices = #map1}, {transform_indices = #map2}]} {
    "tpu.region"() ({
      %run_scoped3A = tpu.sem_alloc : memref<!tpu.dma_semaphore, #tpu.memory_space<semaphore_mem>>
      %dma_start3A_65 = arith.constant 0 : i32
      %dma_start3A_66 = arith.constant 0 : i32
      %dma_start3A_67 = tpu.memref_slice %arg2[%arg0, %arg1, %dma_start3A_65, %dma_start3A_66] : memref<2x16x80x128xi32, #tpu.memory_space<hbm>> -> memref<1x1x80x128xi32, #tpu.memory_space<hbm>>
      %dma_start3A_68 = tpu.memref_squeeze %dma_start3A_67 : memref<1x1x80x128xi32, #tpu.memory_space<hbm>> -> memref<80x128xi32, #tpu.memory_space<hbm>>
      %dma_start3A_69 = arith.constant 0 : i32
      %dma_start3A_70 = arith.constant 0 : i32
      %dma_start3A_71 = tpu.memref_slice %arg2[%arg0, %arg1, %dma_start3A_69, %dma_start3A_70] : memref<2x16x80x128xi32, #tpu.memory_space<hbm>> -> memref<1x1x80x128xi32, #tpu.memory_space<hbm>>
      %dma_start3A_72 = tpu.memref_squeeze %dma_start3A_71 : memref<1x1x80x128xi32, #tpu.memory_space<hbm>> -> memref<80x128xi32, #tpu.memory_space<hbm>>
      tpu.enqueue_dma source(%dma_start3A_72 : memref<80x128xi32, #tpu.memory_space<hbm>>) target(%arg7 : memref<80x128xi32, #tpu.memory_space<vmem>>) target_semaphore(%run_scoped3A : memref<!tpu.dma_semaphore, #tpu.memory_space<semaphore_mem>>)
      %dma_wait3A_73 = arith.constant 0 : i32
      %dma_wait3A_74 = arith.constant 0 : i32
      %dma_wait3A_75 = tpu.memref_slice %arg2[%arg0, %arg1, %dma_wait3A_73, %dma_wait3A_74] : memref<2x16x80x128xi32, #tpu.memory_space<hbm>> -> memref<1x1x80x128xi32, #tpu.memory_space<hbm>>
      %dma_wait3A_76 = tpu.memref_squeeze %dma_wait3A_75 : memref<1x1x80x128xi32, #tpu.memory_space<hbm>> -> memref<80x128xi32, #tpu.memory_space<hbm>>
      %dma_wait3A_77 = arith.constant 0 : i32
      %dma_wait3A_78 = arith.constant 0 : i32
      %dma_wait3A_79 = tpu.memref_slice %arg2[%arg0, %arg1, %dma_wait3A_77, %dma_wait3A_78] : memref<2x16x80x128xi32, #tpu.memory_space<hbm>> -> memref<1x1x80x128xi32, #tpu.memory_space<hbm>>
      %dma_wait3A_80 = tpu.memref_squeeze %dma_wait3A_79 : memref<1x1x80x128xi32, #tpu.memory_space<hbm>> -> memref<80x128xi32, #tpu.memory_space<hbm>>
      tpu.wait_dma2 semaphore(%run_scoped3A : memref<!tpu.dma_semaphore, #tpu.memory_space<semaphore_mem>>) src(%dma_wait3A_80 : memref<80x128xi32, #tpu.memory_space<hbm>>) dst(%arg7 : memref<80x128xi32, #tpu.memory_space<vmem>>)
      tpu.yield
    }) : () -> ()
    %dma_start3A = arith.constant 0 : i32
    %dma_start3A_0 = arith.constant 0 : i32
    %dma_start3A_1 = arith.constant 0 : i32
    %dma_start3A_2 = tpu.memref_slice %arg8[%dma_start3A_0, %dma_start3A_1] : memref<2x128xi32, #tpu.memory_space<vmem>> -> memref<1x128xi32, #tpu.memory_space<vmem>>
    %dma_start3A_3 = tpu.memref_squeeze %dma_start3A_2 : memref<1x128xi32, #tpu.memory_space<vmem>> -> memref<128xi32, #tpu.memory_space<vmem>>
    %dma_start3A_4 = arith.constant 0 : i32
    %dma_start3A_5 = tpu.memref_slice %arg3[%arg0, %arg1, %dma_start3A, %dma_start3A_4] : memref<2x16x80x128xi32, #tpu.memory_space<hbm>> -> memref<1x1x1x128xi32, #tpu.memory_space<hbm>>
    %dma_start3A_6 = tpu.memref_squeeze %dma_start3A_5 : memref<1x1x1x128xi32, #tpu.memory_space<hbm>> -> memref<128xi32, #tpu.memory_space<hbm>>
    %dma_start3A_7 = arith.constant 0 : i32
    %dma_start3A_8 = tpu.memref_slice %arg8[%dma_start3A_0, %dma_start3A_7] : memref<2x128xi32, #tpu.memory_space<vmem>> -> memref<1x128xi32, #tpu.memory_space<vmem>>
    %dma_start3A_9 = tpu.memref_squeeze %dma_start3A_8 : memref<1x128xi32, #tpu.memory_space<vmem>> -> memref<128xi32, #tpu.memory_space<vmem>>
    %dma_start3A_10 = arith.constant 0 : i32
    %dma_start3A_11 = tpu.memref_slice %arg3[%arg0, %arg1, %dma_start3A, %dma_start3A_10] : memref<2x16x80x128xi32, #tpu.memory_space<hbm>> -> memref<1x1x1x128xi32, #tpu.memory_space<hbm>>
    %dma_start3A_12 = tpu.memref_squeeze %dma_start3A_11 : memref<1x1x1x128xi32, #tpu.memory_space<hbm>> -> memref<128xi32, #tpu.memory_space<hbm>>
    tpu.enqueue_dma source(%dma_start3A_12 : memref<128xi32, #tpu.memory_space<hbm>>) target(%dma_start3A_9 : memref<128xi32, #tpu.memory_space<vmem>>) target_semaphore(%arg15 : memref<!tpu.dma_semaphore, #tpu.memory_space<semaphore_mem>>)
    %dma_start3A_13 = arith.constant 1 : i32
    %dma_start3A_14 = arith.constant 1 : i32
    %dma_start3A_15 = arith.constant 0 : i32
    %dma_start3A_16 = tpu.memref_slice %arg8[%dma_start3A_14, %dma_start3A_15] : memref<2x128xi32, #tpu.memory_space<vmem>> -> memref<1x128xi32, #tpu.memory_space<vmem>>
    %dma_start3A_17 = tpu.memref_squeeze %dma_start3A_16 : memref<1x128xi32, #tpu.memory_space<vmem>> -> memref<128xi32, #tpu.memory_space<vmem>>
    %dma_start3A_18 = arith.constant 0 : i32
    %dma_start3A_19 = tpu.memref_slice %arg3[%arg0, %arg1, %dma_start3A_13, %dma_start3A_18] : memref<2x16x80x128xi32, #tpu.memory_space<hbm>> -> memref<1x1x1x128xi32, #tpu.memory_space<hbm>>
    %dma_start3A_20 = tpu.memref_squeeze %dma_start3A_19 : memref<1x1x1x128xi32, #tpu.memory_space<hbm>> -> memref<128xi32, #tpu.memory_space<hbm>>
    %dma_start3A_21 = arith.constant 0 : i32
    %dma_start3A_22 = tpu.memref_slice %arg8[%dma_start3A_14, %dma_start3A_21] : memref<2x128xi32, #tpu.memory_space<vmem>> -> memref<1x128xi32, #tpu.memory_space<vmem>>
    %dma_start3A_23 = tpu.memref_squeeze %dma_start3A_22 : memref<1x128xi32, #tpu.memory_space<vmem>> -> memref<128xi32, #tpu.memory_space<vmem>>
    %dma_start3A_24 = arith.constant 0 : i32
    %dma_start3A_25 = tpu.memref_slice %arg3[%arg0, %arg1, %dma_start3A_13, %dma_start3A_24] : memref<2x16x80x128xi32, #tpu.memory_space<hbm>> -> memref<1x1x1x128xi32, #tpu.memory_space<hbm>>
    %dma_start3A_26 = tpu.memref_squeeze %dma_start3A_25 : memref<1x1x1x128xi32, #tpu.memory_space<hbm>> -> memref<128xi32, #tpu.memory_space<hbm>>
    tpu.enqueue_dma source(%dma_start3A_26 : memref<128xi32, #tpu.memory_space<hbm>>) target(%dma_start3A_23 : memref<128xi32, #tpu.memory_space<vmem>>) target_semaphore(%arg16 : memref<!tpu.dma_semaphore, #tpu.memory_space<semaphore_mem>>)
    %eq3A = arith.constant 0 : i32
    %eq3A_27 = arith.cmpi eq, %arg0, %eq3A : i32
    %convert_element_type3A = arith.extui %eq3A_27 : i1 to i32
    %cond3A = arith.constant 0 : i32
    %cond3A_28 = arith.cmpi ne, %convert_element_type3A, %cond3A : i32
    scf.if %cond3A_28 {
      %mul3A_65 = arith.constant 640 : i32
      %mul3A_66 = arith.muli %arg1, %mul3A_65 : i32
      %mul3A_67 = arith.constant 640 : i32
      %mul3A_68 = arith.muli %arg1, %mul3A_67 : i32
      "tpu.region"() ({
        %run_scoped3A = tpu.sem_alloc : memref<!tpu.dma_semaphore, #tpu.memory_space<semaphore_mem>>
        %dma_start3A_69 = arith.constant 0 : i32
        %dma_start3A_70 = tpu.memref_slice %arg10[%mul3A_68, %dma_start3A_69] : memref<10240x128xf32, #tpu.memory_space<vmem_shared>> -> memref<640x128xf32, #tpu.memory_space<vmem_shared>>
        %dma_start3A_71 = arith.constant 0 : i32
        %dma_start3A_72 = tpu.memref_slice %arg4[%mul3A_66, %dma_start3A_71] : memref<10240x128xf32, #tpu.memory_space<hbm>> -> memref<640x128xf32, #tpu.memory_space<hbm>>
        tpu.enqueue_dma source(%dma_start3A_72 : memref<640x128xf32, #tpu.memory_space<hbm>>) target(%dma_start3A_70 : memref<640x128xf32, #tpu.memory_space<vmem_shared>>) target_semaphore(%run_scoped3A : memref<!tpu.dma_semaphore, #tpu.memory_space<semaphore_mem>>)
        %dma_wait3A_73 = arith.constant 0 : i32
        %dma_wait3A_74 = tpu.memref_slice %arg10[%mul3A_68, %dma_wait3A_73] : memref<10240x128xf32, #tpu.memory_space<vmem_shared>> -> memref<640x128xf32, #tpu.memory_space<vmem_shared>>
        %dma_wait3A_75 = arith.constant 0 : i32
        %dma_wait3A_76 = tpu.memref_slice %arg4[%mul3A_66, %dma_wait3A_75] : memref<10240x128xf32, #tpu.memory_space<hbm>> -> memref<640x128xf32, #tpu.memory_space<hbm>>
        tpu.wait_dma2 semaphore(%run_scoped3A : memref<!tpu.dma_semaphore, #tpu.memory_space<semaphore_mem>>) src(%dma_wait3A_76 : memref<640x128xf32, #tpu.memory_space<hbm>>) dst(%dma_wait3A_74 : memref<640x128xf32, #tpu.memory_space<vmem_shared>>)
        tpu.yield
      }) : () -> ()
    } else {
    }
    %eq3A_29 = arith.constant 1 : i32
    %eq3A_30 = arith.cmpi eq, %arg0, %eq3A_29 : i32
    %convert_element_type3A_31 = arith.extui %eq3A_30 : i1 to i32
    %cond3A_32 = arith.constant 0 : i32
    %cond3A_33 = arith.cmpi ne, %convert_element_type3A_31, %cond3A_32 : i32
    scf.if %cond3A_33 {
      %mul3A_65 = arith.constant 640 : i32
      %mul3A_66 = arith.muli %arg1, %mul3A_65 : i32
      "tpu.region"() ({
        %run_scoped3A = tpu.sem_alloc : memref<!tpu.dma_semaphore, #tpu.memory_space<semaphore_mem>>
        %dma_start3A_67 = arith.constant 0 : i32
        %dma_start3A_68 = tpu.memref_slice %arg10[%mul3A_66, %dma_start3A_67] : memref<10240x128xf32, #tpu.memory_space<vmem_shared>> -> memref<640x128xf32, #tpu.memory_space<vmem_shared>>
        tpu.enqueue_dma source(%arg5 : memref<640x128xf32, #tpu.memory_space<hbm>>) target(%dma_start3A_68 : memref<640x128xf32, #tpu.memory_space<vmem_shared>>) target_semaphore(%run_scoped3A : memref<!tpu.dma_semaphore, #tpu.memory_space<semaphore_mem>>)
        %dma_wait3A_69 = arith.constant 0 : i32
        %dma_wait3A_70 = tpu.memref_slice %arg10[%mul3A_66, %dma_wait3A_69] : memref<10240x128xf32, #tpu.memory_space<vmem_shared>> -> memref<640x128xf32, #tpu.memory_space<vmem_shared>>
        tpu.wait_dma2 semaphore(%run_scoped3A : memref<!tpu.dma_semaphore, #tpu.memory_space<semaphore_mem>>) src(%arg5 : memref<640x128xf32, #tpu.memory_space<hbm>>) dst(%dma_wait3A_70 : memref<640x128xf32, #tpu.memory_space<vmem_shared>>)
        tpu.yield
      }) : () -> ()
    } else {
    }
    %dma_start3A_34 = arith.constant 0 : i32
    %dma_start3A_35 = arith.constant 0 : i32
    %dma_start3A_36 = arith.constant 0 : i32
    %dma_start3A_37 = arith.constant 0 : i32
    %dma_start3A_38 = tpu.memref_slice %arg9[%dma_start3A_35, %dma_start3A_36, %dma_start3A_37] : memref<2x128x128xf32, #tpu.memory_space<vmem>> -> memref<1x128x128xf32, #tpu.memory_space<vmem>>
    %dma_start3A_39 = tpu.memref_squeeze %dma_start3A_38 : memref<1x128x128xf32, #tpu.memory_space<vmem>> -> memref<128x128xf32, #tpu.memory_space<vmem>>
    %dma_start3A_40 = arith.constant 0 : i32
    %dma_start3A_41 = tpu.memref_slice %arg7[%dma_start3A_34, %dma_start3A_40] : memref<80x128xi32, #tpu.memory_space<vmem>> -> memref<1x128xi32, #tpu.memory_space<vmem>>
    %dma_start3A_42 = tpu.memref_squeeze %dma_start3A_41 : memref<1x128xi32, #tpu.memory_space<vmem>> -> memref<128xi32, #tpu.memory_space<vmem>>
    %dma_start3A_43 = arith.constant 0 : i32
    %dma_start3A_44 = arith.constant 0 : i32
    %dma_start3A_45 = tpu.memref_slice %arg4[%dma_start3A_43, %dma_start3A_44] : memref<10240x128xf32, #tpu.memory_space<hbm>> -> memref<10240x128xf32, #tpu.memory_space<hbm>>
    tpu.enqueue_indirect_dma source(%dma_start3A_45 : memref<10240x128xf32, #tpu.memory_space<hbm>>) target(%dma_start3A_39 : memref<128x128xf32, #tpu.memory_space<vmem>>) offsets(%dma_start3A_42 : memref<128xi32, #tpu.memory_space<vmem>>) semaphore(%arg11 : memref<!tpu.dma_semaphore, #tpu.memory_space<semaphore_mem>>)
    %barrier3A = arith.constant 0 : index
    tpu.barrier barrier_id(%barrier3A)
    %scan3A = arith.constant 0 : i32
    %scan3A_46 = arith.constant 40 : i32
    %scan3A_47 = arith.addi %scan3A, %scan3A_46 : i32
    %scan3A_48 = arith.constant 1 : i32
    scf.for %scan3A_65 = %scan3A to %scan3A_47 step %scan3A_48  : i32 {
      %mul3A_66 = arith.constant 1 : i32
      %mul3A_67 = arith.muli %scan3A_65, %mul3A_66 : i32
      %add3A = arith.constant 0 : i32
      %add3A_68 = arith.addi %add3A, %mul3A_67 : i32
      %mul3A_69 = arith.constant 2 : i32
      %mul3A_70 = arith.muli %mul3A_69, %add3A_68 : i32
      %add3A_71 = arith.constant 1 : i32
      %add3A_72 = arith.addi %mul3A_70, %add3A_71 : i32
      %gt3A = arith.constant 0 : i32
      %gt3A_73 = arith.cmpi sgt, %add3A_68, %gt3A : i32
      %convert_element_type3A_74 = arith.extui %gt3A_73 : i1 to i32
      %cond3A_75 = arith.constant 0 : i32
      %cond3A_76 = arith.cmpi ne, %convert_element_type3A_74, %cond3A_75 : i32
      scf.if %cond3A_76 {
        %dma_wait3A_178 = arith.constant 1 : i32
        %dma_wait3A_179 = arith.constant 1 : i32
        %dma_wait3A_180 = arith.constant 0 : i32
        %dma_wait3A_181 = arith.constant 0 : i32
        %dma_wait3A_182 = tpu.memref_slice %arg9[%dma_wait3A_178, %dma_wait3A_180, %dma_wait3A_181] : memref<2x128x128xf32, #tpu.memory_space<vmem>> -> memref<1x128x128xf32, #tpu.memory_space<vmem>>
        %dma_wait3A_183 = tpu.memref_squeeze %dma_wait3A_182 : memref<1x128x128xf32, #tpu.memory_space<vmem>> -> memref<128x128xf32, #tpu.memory_space<vmem>>
        %dma_wait3A_184 = arith.constant 0 : i32
        %dma_wait3A_185 = tpu.memref_slice %arg8[%dma_wait3A_179, %dma_wait3A_184] : memref<2x128xi32, #tpu.memory_space<vmem>> -> memref<1x128xi32, #tpu.memory_space<vmem>>
        %dma_wait3A_186 = tpu.memref_squeeze %dma_wait3A_185 : memref<1x128xi32, #tpu.memory_space<vmem>> -> memref<128xi32, #tpu.memory_space<vmem>>
        %dma_wait3A_187 = arith.constant 0 : i32
        %dma_wait3A_188 = arith.constant 0 : i32
        %dma_wait3A_189 = tpu.memref_slice %arg10[%dma_wait3A_187, %dma_wait3A_188] : memref<10240x128xf32, #tpu.memory_space<vmem_shared>> -> memref<10240x128xf32, #tpu.memory_space<vmem_shared>>
        tpu.wait_indirect_dma semaphore(%arg14 : memref<!tpu.dma_semaphore, #tpu.memory_space<semaphore_mem>>) src(%dma_wait3A_183 : memref<128x128xf32, #tpu.memory_space<vmem>>) dst(%dma_wait3A_189 : memref<10240x128xf32, #tpu.memory_space<vmem_shared>>)
        %dma_start3A_190 = arith.constant 1 : i32
        %dma_start3A_191 = arith.constant 0 : i32
        %dma_start3A_192 = tpu.memref_slice %arg8[%dma_start3A_190, %dma_start3A_191] : memref<2x128xi32, #tpu.memory_space<vmem>> -> memref<1x128xi32, #tpu.memory_space<vmem>>
        %dma_start3A_193 = tpu.memref_squeeze %dma_start3A_192 : memref<1x128xi32, #tpu.memory_space<vmem>> -> memref<128xi32, #tpu.memory_space<vmem>>
        %dma_start3A_194 = arith.constant 0 : i32
        %dma_start3A_195 = tpu.memref_slice %arg3[%arg0, %arg1, %add3A_72, %dma_start3A_194] : memref<2x16x80x128xi32, #tpu.memory_space<hbm>> -> memref<1x1x1x128xi32, #tpu.memory_space<hbm>>
        %dma_start3A_196 = tpu.memref_squeeze %dma_start3A_195 : memref<1x1x1x128xi32, #tpu.memory_space<hbm>> -> memref<128xi32, #tpu.memory_space<hbm>>
        %dma_start3A_197 = arith.constant 0 : i32
        %dma_start3A_198 = tpu.memref_slice %arg8[%dma_start3A_190, %dma_start3A_197] : memref<2x128xi32, #tpu.memory_space<vmem>> -> memref<1x128xi32, #tpu.memory_space<vmem>>
        %dma_start3A_199 = tpu.memref_squeeze %dma_start3A_198 : memref<1x128xi32, #tpu.memory_space<vmem>> -> memref<128xi32, #tpu.memory_space<vmem>>
        %dma_start3A_200 = arith.constant 0 : i32
        %dma_start3A_201 = tpu.memref_slice %arg3[%arg0, %arg1, %add3A_72, %dma_start3A_200] : memref<2x16x80x128xi32, #tpu.memory_space<hbm>> -> memref<1x1x1x128xi32, #tpu.memory_space<hbm>>
        %dma_start3A_202 = tpu.memref_squeeze %dma_start3A_201 : memref<1x1x1x128xi32, #tpu.memory_space<hbm>> -> memref<128xi32, #tpu.memory_space<hbm>>
        tpu.enqueue_dma source(%dma_start3A_202 : memref<128xi32, #tpu.memory_space<hbm>>) target(%dma_start3A_199 : memref<128xi32, #tpu.memory_space<vmem>>) target_semaphore(%arg16 : memref<!tpu.dma_semaphore, #tpu.memory_space<semaphore_mem>>)
      } else {
      }
      %dma_wait3A_77 = arith.constant 0 : i32
      %dma_wait3A_78 = arith.constant 0 : i32
      %dma_wait3A_79 = arith.constant 0 : i32
      %dma_wait3A_80 = tpu.memref_slice %arg9[%dma_wait3A_77, %dma_wait3A_78, %dma_wait3A_79] : memref<2x128x128xf32, #tpu.memory_space<vmem>> -> memref<1x128x128xf32, #tpu.memory_space<vmem>>
      %dma_wait3A_81 = tpu.memref_squeeze %dma_wait3A_80 : memref<1x128x128xf32, #tpu.memory_space<vmem>> -> memref<128x128xf32, #tpu.memory_space<vmem>>
      %dma_wait3A_82 = arith.constant 0 : i32
      %dma_wait3A_83 = tpu.memref_slice %arg7[%mul3A_70, %dma_wait3A_82] : memref<80x128xi32, #tpu.memory_space<vmem>> -> memref<1x128xi32, #tpu.memory_space<vmem>>
      %dma_wait3A_84 = tpu.memref_squeeze %dma_wait3A_83 : memref<1x128xi32, #tpu.memory_space<vmem>> -> memref<128xi32, #tpu.memory_space<vmem>>
      %dma_wait3A_85 = arith.constant 0 : i32
      %dma_wait3A_86 = arith.constant 0 : i32
      %dma_wait3A_87 = tpu.memref_slice %arg4[%dma_wait3A_85, %dma_wait3A_86] : memref<10240x128xf32, #tpu.memory_space<hbm>> -> memref<10240x128xf32, #tpu.memory_space<hbm>>
      tpu.wait_indirect_dma semaphore(%arg11 : memref<!tpu.dma_semaphore, #tpu.memory_space<semaphore_mem>>) src(%dma_wait3A_87 : memref<10240x128xf32, #tpu.memory_space<hbm>>) dst(%dma_wait3A_81 : memref<128x128xf32, #tpu.memory_space<vmem>>)
      %dma_wait3A_88 = arith.constant 0 : i32
      %dma_wait3A_89 = arith.constant 0 : i32
      %dma_wait3A_90 = tpu.memref_slice %arg8[%dma_wait3A_88, %dma_wait3A_89] : memref<2x128xi32, #tpu.memory_space<vmem>> -> memref<1x128xi32, #tpu.memory_space<vmem>>
      %dma_wait3A_91 = tpu.memref_squeeze %dma_wait3A_90 : memref<1x128xi32, #tpu.memory_space<vmem>> -> memref<128xi32, #tpu.memory_space<vmem>>
      %dma_wait3A_92 = arith.constant 0 : i32
      %dma_wait3A_93 = tpu.memref_slice %arg3[%arg0, %arg1, %mul3A_70, %dma_wait3A_92] : memref<2x16x80x128xi32, #tpu.memory_space<hbm>> -> memref<1x1x1x128xi32, #tpu.memory_space<hbm>>
      %dma_wait3A_94 = tpu.memref_squeeze %dma_wait3A_93 : memref<1x1x1x128xi32, #tpu.memory_space<hbm>> -> memref<128xi32, #tpu.memory_space<hbm>>
      %dma_wait3A_95 = arith.constant 0 : i32
      %dma_wait3A_96 = tpu.memref_slice %arg8[%dma_wait3A_88, %dma_wait3A_95] : memref<2x128xi32, #tpu.memory_space<vmem>> -> memref<1x128xi32, #tpu.memory_space<vmem>>
      %dma_wait3A_97 = tpu.memref_squeeze %dma_wait3A_96 : memref<1x128xi32, #tpu.memory_space<vmem>> -> memref<128xi32, #tpu.memory_space<vmem>>
      %dma_wait3A_98 = arith.constant 0 : i32
      %dma_wait3A_99 = tpu.memref_slice %arg3[%arg0, %arg1, %mul3A_70, %dma_wait3A_98] : memref<2x16x80x128xi32, #tpu.memory_space<hbm>> -> memref<1x1x1x128xi32, #tpu.memory_space<hbm>>
      %dma_wait3A_100 = tpu.memref_squeeze %dma_wait3A_99 : memref<1x1x1x128xi32, #tpu.memory_space<hbm>> -> memref<128xi32, #tpu.memory_space<hbm>>
      tpu.wait_dma2 semaphore(%arg15 : memref<!tpu.dma_semaphore, #tpu.memory_space<semaphore_mem>>) src(%dma_wait3A_100 : memref<128xi32, #tpu.memory_space<hbm>>) dst(%dma_wait3A_97 : memref<128xi32, #tpu.memory_space<vmem>>)
      %dma_start3A_101 = arith.constant 0 : i32
      %dma_start3A_102 = arith.constant 0 : i32
      %dma_start3A_103 = arith.constant 0 : i32
      %dma_start3A_104 = arith.constant 0 : i32
      %dma_start3A_105 = tpu.memref_slice %arg9[%dma_start3A_101, %dma_start3A_103, %dma_start3A_104] : memref<2x128x128xf32, #tpu.memory_space<vmem>> -> memref<1x128x128xf32, #tpu.memory_space<vmem>>
      %dma_start3A_106 = tpu.memref_squeeze %dma_start3A_105 : memref<1x128x128xf32, #tpu.memory_space<vmem>> -> memref<128x128xf32, #tpu.memory_space<vmem>>
      %dma_start3A_107 = arith.constant 0 : i32
      %dma_start3A_108 = tpu.memref_slice %arg8[%dma_start3A_102, %dma_start3A_107] : memref<2x128xi32, #tpu.memory_space<vmem>> -> memref<1x128xi32, #tpu.memory_space<vmem>>
      %dma_start3A_109 = tpu.memref_squeeze %dma_start3A_108 : memref<1x128xi32, #tpu.memory_space<vmem>> -> memref<128xi32, #tpu.memory_space<vmem>>
      %dma_start3A_110 = arith.constant 0 : i32
      %dma_start3A_111 = arith.constant 0 : i32
      %dma_start3A_112 = tpu.memref_slice %arg10[%dma_start3A_110, %dma_start3A_111] : memref<10240x128xf32, #tpu.memory_space<vmem_shared>> -> memref<10240x128xf32, #tpu.memory_space<vmem_shared>>
      tpu.enqueue_indirect_dma source(%dma_start3A_106 : memref<128x128xf32, #tpu.memory_space<vmem>>) target(%dma_start3A_112 : memref<10240x128xf32, #tpu.memory_space<vmem_shared>>) offsets(%dma_start3A_109 : memref<128xi32, #tpu.memory_space<vmem>>) semaphore(%arg13 : memref<!tpu.dma_semaphore, #tpu.memory_space<semaphore_mem>>) {add = true}
      %dma_start3A_113 = arith.constant 1 : i32
      %dma_start3A_114 = arith.constant 0 : i32
      %dma_start3A_115 = arith.constant 0 : i32
      %dma_start3A_116 = tpu.memref_slice %arg9[%dma_start3A_113, %dma_start3A_114, %dma_start3A_115] : memref<2x128x128xf32, #tpu.memory_space<vmem>> -> memref<1x128x128xf32, #tpu.memory_space<vmem>>
      %dma_start3A_117 = tpu.memref_squeeze %dma_start3A_116 : memref<1x128x128xf32, #tpu.memory_space<vmem>> -> memref<128x128xf32, #tpu.memory_space<vmem>>
      %dma_start3A_118 = arith.constant 0 : i32
      %dma_start3A_119 = tpu.memref_slice %arg7[%add3A_72, %dma_start3A_118] : memref<80x128xi32, #tpu.memory_space<vmem>> -> memref<1x128xi32, #tpu.memory_space<vmem>>
      %dma_start3A_120 = tpu.memref_squeeze %dma_start3A_119 : memref<1x128xi32, #tpu.memory_space<vmem>> -> memref<128xi32, #tpu.memory_space<vmem>>
      %dma_start3A_121 = arith.constant 0 : i32
      %dma_start3A_122 = arith.constant 0 : i32
      %dma_start3A_123 = tpu.memref_slice %arg4[%dma_start3A_121, %dma_start3A_122] : memref<10240x128xf32, #tpu.memory_space<hbm>> -> memref<10240x128xf32, #tpu.memory_space<hbm>>
      tpu.enqueue_indirect_dma source(%dma_start3A_123 : memref<10240x128xf32, #tpu.memory_space<hbm>>) target(%dma_start3A_117 : memref<128x128xf32, #tpu.memory_space<vmem>>) offsets(%dma_start3A_120 : memref<128xi32, #tpu.memory_space<vmem>>) semaphore(%arg12 : memref<!tpu.dma_semaphore, #tpu.memory_space<semaphore_mem>>)
      %dma_wait3A_124 = arith.constant 0 : i32
      %dma_wait3A_125 = arith.constant 0 : i32
      %dma_wait3A_126 = arith.constant 0 : i32
      %dma_wait3A_127 = arith.constant 0 : i32
      %dma_wait3A_128 = tpu.memref_slice %arg9[%dma_wait3A_124, %dma_wait3A_126, %dma_wait3A_127] : memref<2x128x128xf32, #tpu.memory_space<vmem>> -> memref<1x128x128xf32, #tpu.memory_space<vmem>>
      %dma_wait3A_129 = tpu.memref_squeeze %dma_wait3A_128 : memref<1x128x128xf32, #tpu.memory_space<vmem>> -> memref<128x128xf32, #tpu.memory_space<vmem>>
      %dma_wait3A_130 = arith.constant 0 : i32
      %dma_wait3A_131 = tpu.memref_slice %arg8[%dma_wait3A_125, %dma_wait3A_130] : memref<2x128xi32, #tpu.memory_space<vmem>> -> memref<1x128xi32, #tpu.memory_space<vmem>>
      %dma_wait3A_132 = tpu.memref_squeeze %dma_wait3A_131 : memref<1x128xi32, #tpu.memory_space<vmem>> -> memref<128xi32, #tpu.memory_space<vmem>>
      %dma_wait3A_133 = arith.constant 0 : i32
      %dma_wait3A_134 = arith.constant 0 : i32
      %dma_wait3A_135 = tpu.memref_slice %arg10[%dma_wait3A_133, %dma_wait3A_134] : memref<10240x128xf32, #tpu.memory_space<vmem_shared>> -> memref<10240x128xf32, #tpu.memory_space<vmem_shared>>
      tpu.wait_indirect_dma semaphore(%arg13 : memref<!tpu.dma_semaphore, #tpu.memory_space<semaphore_mem>>) src(%dma_wait3A_129 : memref<128x128xf32, #tpu.memory_space<vmem>>) dst(%dma_wait3A_135 : memref<10240x128xf32, #tpu.memory_space<vmem_shared>>)
      %add3A_136 = arith.constant 2 : i32
      %add3A_137 = arith.addi %mul3A_70, %add3A_136 : i32
      %lt3A = arith.constant 80 : i32
      %lt3A_138 = arith.cmpi slt, %add3A_137, %lt3A : i32
      %convert_element_type3A_139 = arith.extui %lt3A_138 : i1 to i32
      %cond3A_140 = arith.constant 0 : i32
      %cond3A_141 = arith.cmpi ne, %convert_element_type3A_139, %cond3A_140 : i32
      scf.if %cond3A_141 {
        %add3A_178 = arith.constant 2 : i32
        %add3A_179 = arith.addi %mul3A_70, %add3A_178 : i32
        %dma_start3A_180 = arith.constant 0 : i32
        %dma_start3A_181 = arith.constant 0 : i32
        %dma_start3A_182 = tpu.memref_slice %arg8[%dma_start3A_180, %dma_start3A_181] : memref<2x128xi32, #tpu.memory_space<vmem>> -> memref<1x128xi32, #tpu.memory_space<vmem>>
        %dma_start3A_183 = tpu.memref_squeeze %dma_start3A_182 : memref<1x128xi32, #tpu.memory_space<vmem>> -> memref<128xi32, #tpu.memory_space<vmem>>
        %dma_start3A_184 = arith.constant 0 : i32
        %dma_start3A_185 = tpu.memref_slice %arg3[%arg0, %arg1, %add3A_179, %dma_start3A_184] : memref<2x16x80x128xi32, #tpu.memory_space<hbm>> -> memref<1x1x1x128xi32, #tpu.memory_space<hbm>>
        %dma_start3A_186 = tpu.memref_squeeze %dma_start3A_185 : memref<1x1x1x128xi32, #tpu.memory_space<hbm>> -> memref<128xi32, #tpu.memory_space<hbm>>
        %dma_start3A_187 = arith.constant 0 : i32
        %dma_start3A_188 = tpu.memref_slice %arg8[%dma_start3A_180, %dma_start3A_187] : memref<2x128xi32, #tpu.memory_space<vmem>> -> memref<1x128xi32, #tpu.memory_space<vmem>>
        %dma_start3A_189 = tpu.memref_squeeze %dma_start3A_188 : memref<1x128xi32, #tpu.memory_space<vmem>> -> memref<128xi32, #tpu.memory_space<vmem>>
        %dma_start3A_190 = arith.constant 0 : i32
        %dma_start3A_191 = tpu.memref_slice %arg3[%arg0, %arg1, %add3A_179, %dma_start3A_190] : memref<2x16x80x128xi32, #tpu.memory_space<hbm>> -> memref<1x1x1x128xi32, #tpu.memory_space<hbm>>
        %dma_start3A_192 = tpu.memref_squeeze %dma_start3A_191 : memref<1x1x1x128xi32, #tpu.memory_space<hbm>> -> memref<128xi32, #tpu.memory_space<hbm>>
        tpu.enqueue_dma source(%dma_start3A_192 : memref<128xi32, #tpu.memory_space<hbm>>) target(%dma_start3A_189 : memref<128xi32, #tpu.memory_space<vmem>>) target_semaphore(%arg15 : memref<!tpu.dma_semaphore, #tpu.memory_space<semaphore_mem>>)
        %add3A_193 = arith.constant 2 : i32
        %add3A_194 = arith.addi %mul3A_70, %add3A_193 : i32
        %dma_start3A_195 = arith.constant 0 : i32
        %dma_start3A_196 = arith.constant 0 : i32
        %dma_start3A_197 = arith.constant 0 : i32
        %dma_start3A_198 = tpu.memref_slice %arg9[%dma_start3A_195, %dma_start3A_196, %dma_start3A_197] : memref<2x128x128xf32, #tpu.memory_space<vmem>> -> memref<1x128x128xf32, #tpu.memory_space<vmem>>
        %dma_start3A_199 = tpu.memref_squeeze %dma_start3A_198 : memref<1x128x128xf32, #tpu.memory_space<vmem>> -> memref<128x128xf32, #tpu.memory_space<vmem>>
        %dma_start3A_200 = arith.constant 0 : i32
        %dma_start3A_201 = tpu.memref_slice %arg7[%add3A_194, %dma_start3A_200] : memref<80x128xi32, #tpu.memory_space<vmem>> -> memref<1x128xi32, #tpu.memory_space<vmem>>
        %dma_start3A_202 = tpu.memref_squeeze %dma_start3A_201 : memref<1x128xi32, #tpu.memory_space<vmem>> -> memref<128xi32, #tpu.memory_space<vmem>>
        %dma_start3A_203 = arith.constant 0 : i32
        %dma_start3A_204 = arith.constant 0 : i32
        %dma_start3A_205 = tpu.memref_slice %arg4[%dma_start3A_203, %dma_start3A_204] : memref<10240x128xf32, #tpu.memory_space<hbm>> -> memref<10240x128xf32, #tpu.memory_space<hbm>>
        tpu.enqueue_indirect_dma source(%dma_start3A_205 : memref<10240x128xf32, #tpu.memory_space<hbm>>) target(%dma_start3A_199 : memref<128x128xf32, #tpu.memory_space<vmem>>) offsets(%dma_start3A_202 : memref<128xi32, #tpu.memory_space<vmem>>) semaphore(%arg11 : memref<!tpu.dma_semaphore, #tpu.memory_space<semaphore_mem>>)
      } else {
      }
      %dma_wait3A_142 = arith.constant 1 : i32
      %dma_wait3A_143 = arith.constant 0 : i32
      %dma_wait3A_144 = arith.constant 0 : i32
      %dma_wait3A_145 = tpu.memref_slice %arg9[%dma_wait3A_142, %dma_wait3A_143, %dma_wait3A_144] : memref<2x128x128xf32, #tpu.memory_space<vmem>> -> memref<1x128x128xf32, #tpu.memory_space<vmem>>
      %dma_wait3A_146 = tpu.memref_squeeze %dma_wait3A_145 : memref<1x128x128xf32, #tpu.memory_space<vmem>> -> memref<128x128xf32, #tpu.memory_space<vmem>>
      %dma_wait3A_147 = arith.constant 0 : i32
      %dma_wait3A_148 = tpu.memref_slice %arg7[%add3A_72, %dma_wait3A_147] : memref<80x128xi32, #tpu.memory_space<vmem>> -> memref<1x128xi32, #tpu.memory_space<vmem>>
      %dma_wait3A_149 = tpu.memref_squeeze %dma_wait3A_148 : memref<1x128xi32, #tpu.memory_space<vmem>> -> memref<128xi32, #tpu.memory_space<vmem>>
      %dma_wait3A_150 = arith.constant 0 : i32
      %dma_wait3A_151 = arith.constant 0 : i32
      %dma_wait3A_152 = tpu.memref_slice %arg4[%dma_wait3A_150, %dma_wait3A_151] : memref<10240x128xf32, #tpu.memory_space<hbm>> -> memref<10240x128xf32, #tpu.memory_space<hbm>>
      tpu.wait_indirect_dma semaphore(%arg12 : memref<!tpu.dma_semaphore, #tpu.memory_space<semaphore_mem>>) src(%dma_wait3A_152 : memref<10240x128xf32, #tpu.memory_space<hbm>>) dst(%dma_wait3A_146 : memref<128x128xf32, #tpu.memory_space<vmem>>)
      %dma_wait3A_153 = arith.constant 1 : i32
      %dma_wait3A_154 = arith.constant 0 : i32
      %dma_wait3A_155 = tpu.memref_slice %arg8[%dma_wait3A_153, %dma_wait3A_154] : memref<2x128xi32, #tpu.memory_space<vmem>> -> memref<1x128xi32, #tpu.memory_space<vmem>>
      %dma_wait3A_156 = tpu.memref_squeeze %dma_wait3A_155 : memref<1x128xi32, #tpu.memory_space<vmem>> -> memref<128xi32, #tpu.memory_space<vmem>>
      %dma_wait3A_157 = arith.constant 0 : i32
      %dma_wait3A_158 = tpu.memref_slice %arg3[%arg0, %arg1, %add3A_72, %dma_wait3A_157] : memref<2x16x80x128xi32, #tpu.memory_space<hbm>> -> memref<1x1x1x128xi32, #tpu.memory_space<hbm>>
      %dma_wait3A_159 = tpu.memref_squeeze %dma_wait3A_158 : memref<1x1x1x128xi32, #tpu.memory_space<hbm>> -> memref<128xi32, #tpu.memory_space<hbm>>
      %dma_wait3A_160 = arith.constant 0 : i32
      %dma_wait3A_161 = tpu.memref_slice %arg8[%dma_wait3A_153, %dma_wait3A_160] : memref<2x128xi32, #tpu.memory_space<vmem>> -> memref<1x128xi32, #tpu.memory_space<vmem>>
      %dma_wait3A_162 = tpu.memref_squeeze %dma_wait3A_161 : memref<1x128xi32, #tpu.memory_space<vmem>> -> memref<128xi32, #tpu.memory_space<vmem>>
      %dma_wait3A_163 = arith.constant 0 : i32
      %dma_wait3A_164 = tpu.memref_slice %arg3[%arg0, %arg1, %add3A_72, %dma_wait3A_163] : memref<2x16x80x128xi32, #tpu.memory_space<hbm>> -> memref<1x1x1x128xi32, #tpu.memory_space<hbm>>
      %dma_wait3A_165 = tpu.memref_squeeze %dma_wait3A_164 : memref<1x1x1x128xi32, #tpu.memory_space<hbm>> -> memref<128xi32, #tpu.memory_space<hbm>>
      tpu.wait_dma2 semaphore(%arg16 : memref<!tpu.dma_semaphore, #tpu.memory_space<semaphore_mem>>) src(%dma_wait3A_165 : memref<128xi32, #tpu.memory_space<hbm>>) dst(%dma_wait3A_162 : memref<128xi32, #tpu.memory_space<vmem>>)
      %dma_start3A_166 = arith.constant 1 : i32
      %dma_start3A_167 = arith.constant 1 : i32
      %dma_start3A_168 = arith.constant 0 : i32
      %dma_start3A_169 = arith.constant 0 : i32
      %dma_start3A_170 = tpu.memref_slice %arg9[%dma_start3A_166, %dma_start3A_168, %dma_start3A_169] : memref<2x128x128xf32, #tpu.memory_space<vmem>> -> memref<1x128x128xf32, #tpu.memory_space<vmem>>
      %dma_start3A_171 = tpu.memref_squeeze %dma_start3A_170 : memref<1x128x128xf32, #tpu.memory_space<vmem>> -> memref<128x128xf32, #tpu.memory_space<vmem>>
      %dma_start3A_172 = arith.constant 0 : i32
      %dma_start3A_173 = tpu.memref_slice %arg8[%dma_start3A_167, %dma_start3A_172] : memref<2x128xi32, #tpu.memory_space<vmem>> -> memref<1x128xi32, #tpu.memory_space<vmem>>
      %dma_start3A_174 = tpu.memref_squeeze %dma_start3A_173 : memref<1x128xi32, #tpu.memory_space<vmem>> -> memref<128xi32, #tpu.memory_space<vmem>>
      %dma_start3A_175 = arith.constant 0 : i32
      %dma_start3A_176 = arith.constant 0 : i32
      %dma_start3A_177 = tpu.memref_slice %arg10[%dma_start3A_175, %dma_start3A_176] : memref<10240x128xf32, #tpu.memory_space<vmem_shared>> -> memref<10240x128xf32, #tpu.memory_space<vmem_shared>>
      tpu.enqueue_indirect_dma source(%dma_start3A_171 : memref<128x128xf32, #tpu.memory_space<vmem>>) target(%dma_start3A_177 : memref<10240x128xf32, #tpu.memory_space<vmem_shared>>) offsets(%dma_start3A_174 : memref<128xi32, #tpu.memory_space<vmem>>) semaphore(%arg14 : memref<!tpu.dma_semaphore, #tpu.memory_space<semaphore_mem>>) {add = true}
    }
    %scan3A_49 = arith.constant 40 : i32
    %dma_wait3A = arith.constant 1 : i32
    %dma_wait3A_50 = arith.constant 1 : i32
    %dma_wait3A_51 = arith.constant 0 : i32
    %dma_wait3A_52 = arith.constant 0 : i32
    %dma_wait3A_53 = tpu.memref_slice %arg9[%dma_wait3A, %dma_wait3A_51, %dma_wait3A_52] : memref<2x128x128xf32, #tpu.memory_space<vmem>> -> memref<1x128x128xf32, #tpu.memory_space<vmem>>
    %dma_wait3A_54 = tpu.memref_squeeze %dma_wait3A_53 : memref<1x128x128xf32, #tpu.memory_space<vmem>> -> memref<128x128xf32, #tpu.memory_space<vmem>>
    %dma_wait3A_55 = arith.constant 0 : i32
    %dma_wait3A_56 = tpu.memref_slice %arg8[%dma_wait3A_50, %dma_wait3A_55] : memref<2x128xi32, #tpu.memory_space<vmem>> -> memref<1x128xi32, #tpu.memory_space<vmem>>
    %dma_wait3A_57 = tpu.memref_squeeze %dma_wait3A_56 : memref<1x128xi32, #tpu.memory_space<vmem>> -> memref<128xi32, #tpu.memory_space<vmem>>
    %dma_wait3A_58 = arith.constant 0 : i32
    %dma_wait3A_59 = arith.constant 0 : i32
    %dma_wait3A_60 = tpu.memref_slice %arg10[%dma_wait3A_58, %dma_wait3A_59] : memref<10240x128xf32, #tpu.memory_space<vmem_shared>> -> memref<10240x128xf32, #tpu.memory_space<vmem_shared>>
    tpu.wait_indirect_dma semaphore(%arg14 : memref<!tpu.dma_semaphore, #tpu.memory_space<semaphore_mem>>) src(%dma_wait3A_54 : memref<128x128xf32, #tpu.memory_space<vmem>>) dst(%dma_wait3A_60 : memref<10240x128xf32, #tpu.memory_space<vmem_shared>>)
    %barrier3A_61 = arith.constant 0 : index
    tpu.barrier barrier_id(%barrier3A_61)
    %mul3A = arith.constant 640 : i32
    %mul3A_62 = arith.muli %arg1, %mul3A : i32
    %mul3A_63 = arith.constant 640 : i32
    %mul3A_64 = arith.muli %arg1, %mul3A_63 : i32
    "tpu.region"() ({
      %run_scoped3A = tpu.sem_alloc : memref<!tpu.dma_semaphore, #tpu.memory_space<semaphore_mem>>
      %dma_start3A_65 = arith.constant 0 : i32
      %dma_start3A_66 = tpu.memref_slice %arg6[%arg0, %mul3A_64, %dma_start3A_65] : memref<2x10240x128xf32, #tpu.memory_space<hbm>> -> memref<1x640x128xf32, #tpu.memory_space<hbm>>
      %dma_start3A_67 = tpu.memref_squeeze %dma_start3A_66 : memref<1x640x128xf32, #tpu.memory_space<hbm>> -> memref<640x128xf32, #tpu.memory_space<hbm>>
      %dma_start3A_68 = arith.constant 0 : i32
      %dma_start3A_69 = tpu.memref_slice %arg10[%mul3A_62, %dma_start3A_68] : memref<10240x128xf32, #tpu.memory_space<vmem_shared>> -> memref<640x128xf32, #tpu.memory_space<vmem_shared>>
      tpu.enqueue_dma source(%dma_start3A_69 : memref<640x128xf32, #tpu.memory_space<vmem_shared>>) target(%dma_start3A_67 : memref<640x128xf32, #tpu.memory_space<hbm>>) target_semaphore(%run_scoped3A : memref<!tpu.dma_semaphore, #tpu.memory_space<semaphore_mem>>)
      %dma_wait3A_70 = arith.constant 0 : i32
      %dma_wait3A_71 = tpu.memref_slice %arg6[%arg0, %mul3A_64, %dma_wait3A_70] : memref<2x10240x128xf32, #tpu.memory_space<hbm>> -> memref<1x640x128xf32, #tpu.memory_space<hbm>>
      %dma_wait3A_72 = tpu.memref_squeeze %dma_wait3A_71 : memref<1x640x128xf32, #tpu.memory_space<hbm>> -> memref<640x128xf32, #tpu.memory_space<hbm>>
      %dma_wait3A_73 = arith.constant 0 : i32
      %dma_wait3A_74 = tpu.memref_slice %arg10[%mul3A_62, %dma_wait3A_73] : memref<10240x128xf32, #tpu.memory_space<vmem_shared>> -> memref<640x128xf32, #tpu.memory_space<vmem_shared>>
      tpu.wait_dma2 semaphore(%run_scoped3A : memref<!tpu.dma_semaphore, #tpu.memory_space<semaphore_mem>>) src(%dma_wait3A_74 : memref<640x128xf32, #tpu.memory_space<vmem_shared>>) dst(%dma_wait3A_72 : memref<640x128xf32, #tpu.memory_space<hbm>>)
      tpu.yield
    }) : () -> ()
    return
  }
}

module attributes {stable_mosaic.version = 14 : i64} {
  func.func @_mm_body(%arg0: i32, %arg1: memref<1280x128xf32, #tpu.memory_space<vmem>>, %arg2: memref<128x128xf32, #tpu.memory_space<vmem>>, %arg3: memref<2x1280xf32, #tpu.memory_space<vmem>>, %arg4: memref<1280x128xf32, #tpu.memory_space<vmem>>) attributes {dimension_semantics = [#tpu.dimension_semantics<arbitrary>], iteration_bounds = array<i64: 8>, scalar_prefetch = 0 : i64, scratch_operands = 0 : i64, tpu.core_type = #tpu.core_type<tc>, window_params = [{transform_indices = @transform_0, window_bounds = array<i64: 1280, 128>}, {pipeline_mode = #tpu.pipeline_mode<synchronous>, transform_indices = @transform_1, window_bounds = array<i64: 128, 128>}, {transform_indices = @transform_2, window_bounds = array<i64: 2, 1280>}, {transform_indices = @transform_3, window_bounds = array<i64: 1280, 128>}]} {
    %get3A = arith.constant 0 : index
    %get3A_0 = arith.constant 0 : index
    %get3A_1 = vector.load %arg1[%get3A, %get3A_0] : memref<1280x128xf32, #tpu.memory_space<vmem>>, vector<1280x128xf32>
    %get3A_2 = arith.constant 0 : index
    %get3A_3 = arith.constant 0 : index
    %get3A_4 = vector.load %arg2[%get3A_2, %get3A_3] : memref<128x128xf32, #tpu.memory_space<vmem>>, vector<128x128xf32>
    %dot_general3A = arith.constant dense<0.000000e+00> : vector<1280x128xf32>
    %dot_general3A_5 = tpu.matmul %get3A_1, %get3A_4, %dot_general3A {dimension_numbers = #tpu.dot_dimension_numbers<[1], [0], [0], [1], [0, 0, 1, 1], [], []>, transpose_lhs_hint = false} : vector<1280x128xf32>, vector<128x128xf32>, vector<1280x128xf32> -> vector<1280x128xf32>
    %get3A_6 = arith.constant 0 : index
    %get3A_7 = arith.constant 0 : index
    %get3A_8 = vector.load %arg3[%get3A_6, %get3A_7] : memref<2x1280xf32, #tpu.memory_space<vmem>>, vector<1x1280xf32>
    %get3A_9 = vector.shape_cast %get3A_8 : vector<1x1280xf32> to vector<1280xf32>
    %get3A_10 = arith.constant 1 : index
    %get3A_11 = arith.constant 0 : index
    %get3A_12 = vector.load %arg3[%get3A_10, %get3A_11] : memref<2x1280xf32, #tpu.memory_space<vmem>>, vector<1x1280xf32>
    %get3A_13 = vector.shape_cast %get3A_12 : vector<1x1280xf32> to vector<1280xf32>
    %add3A = arith.addf %get3A_9, %get3A_13 : vector<1280xf32>
    %add3A_14 = arith.constant 1.000000e+00 : f32
    %add3A_15 = vector.broadcast %add3A_14 : f32 to vector<1280xf32>
    %add3A_16 = arith.addf %add3A, %add3A_15 : vector<1280xf32>
    %rsqrt3A = math.rsqrt %add3A_16 : vector<1280xf32>
    %broadcast_in_dim3A = vector.shape_cast %rsqrt3A : vector<1280xf32> to vector<1280x1xf32>
    %mul3A = vector.broadcast %broadcast_in_dim3A : vector<1280x1xf32> to vector<1280x128xf32>
    %mul3A_17 = arith.mulf %dot_general3A_5, %mul3A : vector<1280x128xf32>
    %swap3A = arith.constant 0 : index
    %swap3A_18 = arith.constant 0 : index
    %swap3A_19 = vector.load %arg4[%swap3A, %swap3A_18] : memref<1280x128xf32, #tpu.memory_space<vmem>>, vector<1280x128xf32>
    tpu.vector_store %arg4[%swap3A, %swap3A_18], %mul3A_17 {strides = array<i32>} : memref<1280x128xf32, #tpu.memory_space<vmem>>, vector<1280x128xf32>,
    return
  }
  func.func @transform_0(%arg0: i32) -> (i32, i32) {
    %c0_i32 = arith.constant 0 : i32
    %c0_i32_0 = arith.constant 0 : i32
    return %arg0, %c0_i32 : i32, i32
  }
  func.func @transform_1(%arg0: i32) -> (i32, i32) {
    %c0_i32 = arith.constant 0 : i32
    %c0_i32_0 = arith.constant 0 : i32
    %c0_i32_1 = arith.constant 0 : i32
    return %c0_i32, %c0_i32_0 : i32, i32
  }
  func.func @transform_2(%arg0: i32) -> (i32, i32) {
    %c0_i32 = arith.constant 0 : i32
    %c0_i32_0 = arith.constant 0 : i32
    return %c0_i32, %arg0 : i32, i32
  }
  func.func @transform_3(%arg0: i32) -> (i32, i32) {
    %c0_i32 = arith.constant 0 : i32
    %c0_i32_0 = arith.constant 0 : i32
    return %arg0, %c0_i32 : i32, i32
  }
}

module attributes {stable_mosaic.version = 14 : i64} {
  func.func @_post_body(%arg0: memref<2x10240x128xf32, #tpu.memory_space<vmem>>, %arg1: memref<2x10240xf32, #tpu.memory_space<vmem>>, %arg2: memref<1x128xf32, #tpu.memory_space<vmem>>, %arg3: memref<1x128xf32, #tpu.memory_space<vmem>>, %arg4: memref<1x128xf32, #tpu.memory_space<vmem>>, %arg5: memref<10000x128xf32, #tpu.memory_space<vmem>>) attributes {dimension_semantics = [], scalar_prefetch = 0 : i64, scratch_operands = 0 : i64, tpu.core_type = #tpu.core_type<tc>} {
    %get3A = arith.constant 0 : index
    %get3A_0 = arith.constant 0 : index
    %get3A_1 = vector.load %arg1[%get3A, %get3A_0] : memref<2x10240xf32, #tpu.memory_space<vmem>>, vector<1x10000xf32>
    %get3A_2 = vector.shape_cast %get3A_1 : vector<1x10000xf32> to vector<10000xf32>
    %get3A_3 = arith.constant 1 : index
    %get3A_4 = arith.constant 0 : index
    %get3A_5 = vector.load %arg1[%get3A_3, %get3A_4] : memref<2x10240xf32, #tpu.memory_space<vmem>>, vector<1x10000xf32>
    %get3A_6 = vector.shape_cast %get3A_5 : vector<1x10000xf32> to vector<10000xf32>
    %add3A = arith.addf %get3A_2, %get3A_6 : vector<10000xf32>
    %add3A_7 = arith.constant 1.000000e+00 : f32
    %add3A_8 = vector.broadcast %add3A_7 : f32 to vector<10000xf32>
    %add3A_9 = arith.addf %add3A, %add3A_8 : vector<10000xf32>
    %rsqrt3A = math.rsqrt %add3A_9 : vector<10000xf32>
    %broadcast_in_dim3A = vector.shape_cast %rsqrt3A : vector<10000xf32> to vector<10000x1xf32>
    %get3A_10 = arith.constant 0 : index
    %get3A_11 = arith.constant 0 : index
    %get3A_12 = arith.constant 0 : index
    %get3A_13 = vector.load %arg0[%get3A_10, %get3A_11, %get3A_12] : memref<2x10240x128xf32, #tpu.memory_space<vmem>>, vector<1x10000x128xf32>
    %get3A_14 = vector.shape_cast %get3A_13 : vector<1x10000x128xf32> to vector<10000x128xf32>
    %get3A_15 = arith.constant 1 : index
    %get3A_16 = arith.constant 0 : index
    %get3A_17 = arith.constant 0 : index
    %get3A_18 = vector.load %arg0[%get3A_15, %get3A_16, %get3A_17] : memref<2x10240x128xf32, #tpu.memory_space<vmem>>, vector<1x10000x128xf32>
    %get3A_19 = vector.shape_cast %get3A_18 : vector<1x10000x128xf32> to vector<10000x128xf32>
    %add3A_20 = arith.addf %get3A_14, %get3A_19 : vector<10000x128xf32>
    %mul3A = vector.broadcast %broadcast_in_dim3A : vector<10000x1xf32> to vector<10000x128xf32>
    %mul3A_21 = arith.mulf %add3A_20, %mul3A : vector<10000x128xf32>
    %get3A_22 = arith.constant 0 : index
    %get3A_23 = arith.constant 0 : index
    %get3A_24 = vector.load %arg2[%get3A_22, %get3A_23] : memref<1x128xf32, #tpu.memory_space<vmem>>, vector<1x128xf32>
    %get3A_25 = vector.shape_cast %get3A_24 : vector<1x128xf32> to vector<128xf32>
    %broadcast_in_dim3A_26 = vector.shape_cast %get3A_25 : vector<128xf32> to vector<1x128xf32>
    %add3A_27 = vector.broadcast %broadcast_in_dim3A_26 : vector<1x128xf32> to vector<10000x128xf32>
    %add3A_28 = arith.addf %mul3A_21, %add3A_27 : vector<10000x128xf32>
    %ge3A = arith.constant 0.000000e+00 : f32
    %ge3A_29 = vector.broadcast %ge3A : f32 to vector<10000x128xf32>
    %ge3A_30 = arith.cmpf oge, %add3A_28, %ge3A_29 : vector<10000x128xf32>
    %mul3A_31 = arith.constant 0.00999999977 : f32
    %mul3A_32 = vector.broadcast %mul3A_31 : f32 to vector<10000x128xf32>
    %mul3A_33 = arith.mulf %mul3A_32, %add3A_28 : vector<10000x128xf32>
    %select_n3A = arith.select %ge3A_30, %add3A_28, %mul3A_33 : vector<10000x128xi1>, vector<10000x128xf32>
    %reduce_sum3A = arith.constant dense<0.000000e+00> : vector<128xf32>
    %reduce_sum3A_34 = vector.multi_reduction <add>, %select_n3A, %reduce_sum3A [0] : vector<10000x128xf32> to vector<128xf32>
    %broadcast_in_dim3A_35 = vector.shape_cast %reduce_sum3A_34 : vector<128xf32> to vector<1x128xf32>
    %div3A = arith.constant 1.000000e+04 : f32
    %div3A_36 = vector.broadcast %div3A : f32 to vector<1x128xf32>
    %div3A_37 = arith.divf %broadcast_in_dim3A_35, %div3A_36 : vector<1x128xf32>
    %sub3A = vector.broadcast %div3A_37 : vector<1x128xf32> to vector<10000x128xf32>
    %sub3A_38 = arith.subf %select_n3A, %sub3A : vector<10000x128xf32>
    %mul3A_39 = arith.mulf %sub3A_38, %sub3A_38 : vector<10000x128xf32>
    %reduce_sum3A_40 = arith.constant dense<0.000000e+00> : vector<128xf32>
    %reduce_sum3A_41 = vector.multi_reduction <add>, %mul3A_39, %reduce_sum3A_40 [0] : vector<10000x128xf32> to vector<128xf32>
    %broadcast_in_dim3A_42 = vector.shape_cast %reduce_sum3A_41 : vector<128xf32> to vector<1x128xf32>
    %div3A_43 = arith.constant 1.000000e+04 : f32
    %div3A_44 = vector.broadcast %div3A_43 : f32 to vector<1x128xf32>
    %div3A_45 = arith.divf %broadcast_in_dim3A_42, %div3A_44 : vector<1x128xf32>
    %add3A_46 = arith.constant 9.99999974E-6 : f32
    %add3A_47 = vector.broadcast %add3A_46 : f32 to vector<1x128xf32>
    %add3A_48 = arith.addf %div3A_45, %add3A_47 : vector<1x128xf32>
    %rsqrt3A_49 = math.rsqrt %add3A_48 : vector<1x128xf32>
    %get3A_50 = arith.constant 0 : index
    %get3A_51 = arith.constant 0 : index
    %get3A_52 = vector.load %arg3[%get3A_50, %get3A_51] : memref<1x128xf32, #tpu.memory_space<vmem>>, vector<1x128xf32>
    %get3A_53 = vector.shape_cast %get3A_52 : vector<1x128xf32> to vector<128xf32>
    %broadcast_in_dim3A_54 = vector.shape_cast %get3A_53 : vector<128xf32> to vector<1x128xf32>
    %mul3A_55 = arith.mulf %rsqrt3A_49, %broadcast_in_dim3A_54 : vector<1x128xf32>
    %mul3A_56 = vector.broadcast %mul3A_55 : vector<1x128xf32> to vector<10000x128xf32>
    %mul3A_57 = arith.mulf %sub3A_38, %mul3A_56 : vector<10000x128xf32>
    %get3A_58 = arith.constant 0 : index
    %get3A_59 = arith.constant 0 : index
    %get3A_60 = vector.load %arg4[%get3A_58, %get3A_59] : memref<1x128xf32, #tpu.memory_space<vmem>>, vector<1x128xf32>
    %get3A_61 = vector.shape_cast %get3A_60 : vector<1x128xf32> to vector<128xf32>
    %broadcast_in_dim3A_62 = vector.shape_cast %get3A_61 : vector<128xf32> to vector<1x128xf32>
    %add3A_63 = vector.broadcast %broadcast_in_dim3A_62 : vector<1x128xf32> to vector<10000x128xf32>
    %add3A_64 = arith.addf %mul3A_57, %add3A_63 : vector<10000x128xf32>
    %swap3A = arith.constant 0 : index
    %swap3A_65 = arith.constant 0 : index
    %swap3A_66 = vector.load %arg5[%swap3A, %swap3A_65] : memref<10000x128xf32, #tpu.memory_space<vmem>>, vector<10000x128xf32>
    tpu.vector_store %arg5[%swap3A, %swap3A_65], %add3A_64 {strides = array<i32>} : memref<10000x128xf32, #tpu.memory_space<vmem>>, vector<10000x128xf32>,
    return
  }
}

</mosaic_0001>

<sc_bundles>
// kernel: kernel.6.cloned.1.call-start
scs
__scs_entry_jumppad:
0x0: {  	(pc) =	sbr.rel $0x88, $3  }
0x1: {  	(tag) =	ssettag $0x0;
	lr =	simm.s32 $0x1  }
0x2: {  	[smem:$0x3F9B] =	sst lr;
	_ =	strace $0xD0000000  }
0x3: {  	_ = 	snop  }
0x4: {  	_ = 	snop  }
0x5: {  	_ = 	snop  }
0x6: {  	_ = 	snop  }
0x7: {  	_ = 	snop  }
__scs_overlays_trampoline_lowered:
0x8: {  	[smem:$0x3FAA] =	sst s0  }
0x9: {  	[smem:$0x3FAB] =	sst s1  }
0xa: {  	[smem:$0x3FAC] =	sst s2  }
0xb: {  	[smem:$0x3FAD] =	sst s3  }
0xc: {  	[smem:$0x3FAE] =	sst s4  }
0xd: {  	[smem:$0x3FAF] =	sst s5  }
0xe: {  	[smem:$0x3FB0] =	sst s6  }
0xf: {  	[smem:$0x3FB1] =	sst s7  }
0x10: {  	[smem:$0x3FB2] =	sst s8  }
0x11: {  	[smem:$0x3FB3] =	sst s9;
	s0 =	simm.s32 @!p0 $0x0  }
0x12: {  	s1 =	sld [smem:$0x3F99];
	s0 =	simm.s32 @p0 $0x1  }
0x13: {  	[smem:$0x3FB4] =	sst s0;
	s0 =	simm.s32 @!p1 $0x0  }
0x14: {  	s2 =	sld [smem:$0x3F98];
	s0 =	simm.s32 @p1 $0x1  }
0x15: {  	[smem:$0x3FB5] =	sst s0;
	s0 =	simm.s32 @!p2 $0x0  }
0x16: {  	s3 =	sld [smem:$0x3FDB];
	s0 =	simm.s32 @p2 $0x1  }
0x17: {  	s4 =	simm.s32 $0x1BF5;
	[smem:$0x3FB7] =	sst s0  }
0x18: {  	s0 =	sld [smem:$0x3F9A];
	_ =	swait.ge [sflag:s4], $0x0  }
0x19: {  	s7 =	sld [smem:$0x3F9B]  }
0x1a: {  	s8 =	sadd.s32 $0xFFFFE003, lr  }
0x1b: {  	s9 =	sadd.s32 $0xFFFFFEF7, lr;
	s5 =	simm.s32 $0xFFFFFFFF;
	p2 =	slt.u32 s8, $0xFFFFF086  }
0x1c: {  	p1 =	slt.u32 s9, $0xF7A;
	s5 =	simm.s32 @!p2 $0x0  }
0x1d: {  	s5 =	simm.s32 @p1 $0x1;
	p0 =	seq.s32 s7, s2  }
0x1e: {  	s7 =	smul.u32 @!p0 $0xF7A, s2;
	p2 =	seq.s32 @!p0 s5, $0x0  }
0x1f: {  	s9 =	smul.u32 $0xF7A, s1;
	s8 =	simm.s32 @!p0 $0x1BF5;
	p2 =	por !p2, p0  }
0x20: {  	[sflag:s8] =	ssyncset.s32 @!p0 $0xFFFFF086;
	s6 =	sadd.s32 @!p0 s3, s7;
	s7 =	simm.s32 @!p0 $0x108  }
0x21: {  	s3 =	sadd.s32 s3, s9;
	s6 =	sadd.s32 @!p0 $0x88, s6;
	s7 =	simm.s32 @p2 $0x1082  }
0x22: {  	[simem:s7], [sflag:s8] =	dma.local @!p0 [hbm:s6], $0xF7A  }
0x23: {  	s9 =	sor.u32 $0xD0000000, s2;
	s6 =	simm.s32 $0x108;
	_ =	swait.ge @!p0 [sflag:s8], $0x0  }
0x24: {  	s3 =	sadd.s32 $0x88, s3;
	s6 =	simm.s32 @!p1 $0x1082;
	[sflag:s4] =	ssyncset.s32 $0xFFFFF086  }
0x25: {  	[simem:s6], [sflag:s4] =	dma.local [hbm:s3], $0xF7A  }
0x26: {  	[smem:$0x3F9B] =	sst s1;
	(tag) =	ssettag s2;
	_ =	strace s9  }
0x27: {  	s1 =	sld [smem:$0x3FAB]  }
0x28: {  	s2 =	sld [smem:$0x3FAC]  }
0x29: {  	s4 =	sld [smem:$0x3FAE]  }
0x2a: {  	p0 =	seq.s32 s5, $0x0;
	s5 =	sld [smem:$0x3FAF]  }
0x2b: {  	s6 =	sld [smem:$0x3FB0]  }
0x2c: {  	s7 =	sld [smem:$0x3FB1]  }
0x2d: {  	s3 =	simm.s32 $0x108;
	s8 =	sld [smem:$0x3FB2]  }
0x2e: {  	s3 =	simm.s32 @!p0 $0x1082;
	s9 =	sld [smem:$0x3FB3]  }
0x2f: {  	lr =	sadd.s32 s0, s3;
	s0 =	sld [smem:$0x3FAA]  }
0x30: {  	s3 =	sld [smem:$0x3FAD]  }
0x31: {  	[smem:$0x3FB6] =	sst s10  }
0x32: {  	s10 =	sld [smem:$0x3FB4];
	_ =	sdelay $0x3  }
0x33: {  	p0 =	seq.s32 s10, $0x1;
	s10 =	sld [smem:$0x3FB6];
	_ =	sdelay $0x3  }
0x34: {  	[smem:$0x3FB6] =	sst s10  }
0x35: {  	s10 =	sld [smem:$0x3FB5];
	_ =	sdelay $0x3  }
0x36: {  	p1 =	seq.s32 s10, $0x1;
	s10 =	sld [smem:$0x3FB6];
	_ =	sdelay $0x3  }
0x37: {  	[smem:$0x3FB6] =	sst s10  }
0x38: {  	s10 =	sld [smem:$0x3FB7]  }
0x39: {  	_ = 	snop;
	(pc) =	sbr.ind lr, $3  }
0x3a: {  	_ = 	snop  }
0x3b: {  	_ = 	snop  }
0x3c: {  	p2 =	seq.s32 s10, $0x1;
	s10 =	sld [smem:$0x3FB6]  }
0x3d: {  	_ =	shalt  }
0x3e: {  	_ =	shalt  }
0x3f: {  	_ =	shalt  }
0x40: {  	_ =	shalt  }
0x41: {  	_ =	shalt  }
0x42: {  	_ =	shalt  }
0x43: {  	_ =	shalt  }
0x44: {  	_ =	shalt  }
0x45: {  	_ =	shalt  }
0x46: {  	_ =	shalt  }
0x47: {  	_ =	shalt  }
0x48: {  	_ =	shalt  }
0x49: {  	_ =	shalt  }
0x4a: {  	_ =	shalt  }
0x4b: {  	_ =	shalt  }
0x4c: {  	_ =	shalt  }
0x4d: {  	_ =	shalt  }
0x4e: {  	_ =	shalt  }
0x4f: {  	_ =	shalt  }
0x50: {  	_ =	shalt  }
0x51: {  	_ =	shalt  }
0x52: {  	_ =	shalt  }
0x53: {  	_ =	shalt  }
0x54: {  	_ =	shalt  }
0x55: {  	_ =	shalt  }
0x56: {  	_ =	shalt  }
0x57: {  	_ =	shalt  }
0x58: {  	_ =	shalt  }
0x59: {  	_ =	shalt  }
0x5a: {  	_ =	shalt  }
0x5b: {  	_ =	shalt  }
0x5c: {  	_ =	shalt  }
0x5d: {  	_ =	shalt  }
0x5e: {  	_ =	shalt  }
0x5f: {  	_ =	shalt  }
0x60: {  	_ =	shalt  }
0x61: {  	_ =	shalt  }
0x62: {  	_ =	shalt  }
0x63: {  	_ =	shalt  }
0x64: {  	_ =	shalt  }
0x65: {  	_ =	shalt  }
0x66: {  	_ =	shalt  }
0x67: {  	_ =	shalt  }
0x68: {  	_ =	shalt  }
0x69: {  	_ =	shalt  }
0x6a: {  	_ =	shalt  }
0x6b: {  	_ =	shalt  }
0x6c: {  	_ =	shalt  }
0x6d: {  	_ =	shalt  }
0x6e: {  	_ =	shalt  }
0x6f: {  	_ =	shalt  }
0x70: {  	_ =	shalt  }
0x71: {  	_ =	shalt  }
0x72: {  	_ =	shalt  }
0x73: {  	_ =	shalt  }
0x74: {  	_ =	shalt  }
0x75: {  	_ =	shalt  }
0x76: {  	_ =	shalt  }
0x77: {  	_ =	shalt  }
0x78: {  	_ =	shalt  }
0x79: {  	_ =	shalt  }
0x7a: {  	_ =	shalt  }
0x7b: {  	_ =	shalt  }
0x7c: {  	_ =	shalt  }
0x7d: {  	_ =	shalt  }
0x7e: {  	_ =	shalt  }
0x7f: {  	_ =	shalt  }
0x80: {  	_ =	shalt  }
0x81: {  	_ =	shalt  }
0x82: {  	_ =	shalt  }
0x83: {  	_ =	shalt  }
0x84: {  	_ =	shalt  }
0x85: {  	_ =	shalt  }
0x86: {  	_ =	shalt  }
0x87: {  	_ =	shalt  }
.Lfunc_end0:
.L_simem_size_0:
called_computation_lowered:
.L_overlay_start_0:
0x88: {  	s2 =	sld [smem:$0x3FD9]  }
0x89: {  	s3 =	sld [smem:$0x3FFE];
	_ =	sdelay $0x1  }
0x8a: {  	s1 =	srdreg.scid  }
0x8b: {  	s0 =	sand.u32 $0x1, s1  }
0x8c: {  	s17 =	sshll.u32 s0, $0xA;
	s2 =	sadd.s32 s3, s2  }
0x8d: {  	s2 =	sadd.s32 s2, s17  }
0x8e: {  	[smem:$0x3FC2] =	sst s2  }
0x8f: {  	_ = 	snop  }
0x90: {  	s2 =	sld [smem:$0x3FD0];
	(tm) =	ssettm $0x1  }
0x91: {  	s18 =	sld [smem:$0x3FFB];
	_ =	sdelay $0x3  }
0x92: {  	_ =	strace s18  }
0x93: {  	s3 =	sld [smem:$0x3FFC];
	_ =	sdelay $0x3  }
0x94: {  	_ =	strace s3  }
0x95: {  	s3 =	sld [smem:$0x3FFD];
	_ =	sdelay $0x3  }
0x96: {  	_ =	strace s3  }
0x97: {  	_ =	strace $0x8FFFFFFF  }
0x98: {  	s19 =	sld [smem:$0x3FDB];
	_ =	sdelay $0x1  }
0x99: {  	s4 =	simm.s32 $_scs_section_size  }
0x9a: {  	s5 =	simm.s32 $_size__tile_overlayer_lowered;
	s6 =	simm.s32 $_tile_overlayer_lowered  }
0x9b: {  	s22 =	simm.s32 $0x1BFF;
	s21 =	sshll.u32 s6, $0x1;
	s3 =	sadd.s32 s4, s19  }
0x9c: {  	s7 =	simm.s32 $0x0;
	s20 =	sshll.u32 s5, $0x1;
	s5 =	sadd.s32 s21, s3  }
0x9d: {  	[timem:s7], [sflag:s22] =	dma.local [hbm:s5], s20  }
0x9e: {  	_ =	swait.ge [sflag:s22], s20  }
0x9f: {  	s4 =	ssub.s32 $0x0, s20;
	[sflag:s22] =	ssyncset.done $0x0  }
0xa0: {  	[sflag:s22] =	ssyncadd.s32 s4;
	_ =	sdelay $0x1  }
0xa1: {  	s23 =	simm.s32 $0x1B8B  }
0xa2: {  	_ =	swait.ge [sflag:s23], $0x1  }
0xa3: {  	[sflag:s23] =	ssyncset.done $0x0  }
0xa4: {  	s25 =	simm.s32 $0x1B8E;
	s24 =	sld [smem:$0x3FFE];
	[sflag:s23] =	ssyncadd.s32 $0xFFFFFFFF  }
0xa5: {  	s26 =	simm.s32 $execute0_lowered;
	[smem:$0x3FD2] =	sst s25  }
0xa6: {  	s5 =	sshll.u32 s26, $0x1;
	_ =	strace $0x80000046;
	[dreg:$0x1] =	wrdreg $0xFFFFFFFF  }
0xa7: {  	s28 =	simm.s32 $_size_execute0_lowered;
	s3 =	sadd.s32 s3, s5;
	[dreg:$0x0] =	wrdreg $0x0  }
0xa8: {  	s5 =	sshll.u32 s28, $0x1;
	[dreg:$0x2] =	wrdreg s3  }
0xa9: {  	[dreg:$0x3] =	wrdreg s5  }
0xaa: {  	[dreg:$0x4] =	wrdreg $0xC0  }
0xab: {  	_ =	task [dreg:s7], $0x5FFFF  }
0xac: {  	[dreg:$0x1] =	wrdreg $0xFFFFFFFF  }
0xad: {  	[dreg:$0x0] =	wrdreg $0x60  }
0xae: {  	[dreg:$0x2] =	wrdreg s2  }
0xaf: {  	[dreg:$0x3] =	wrdreg s24  }
0xb0: {  	[dreg:$0x4] =	wrdreg $0x2B000  }
0xb1: {  	[dreg:$0x5] =	wrdreg $0x9  }
0xb2: {  	_ =	task.clear_ibuf [dreg:s7], $0x6FFFF;
	_ =	strace $0x90000046  }
0xb3: {  	s29 =	simm.s32 $0x9;
	_ =	strace $0x80000048  }
0xb4: {  	_ =	swait.ge [sflag:s29], $0x1  }
0xb5: {  	[sflag:s29] =	ssyncadd.s32 $0xFFFFFFFF  }
0xb6: {  	_ =	strace $0x90000048  }
0xb7: {  	_ =	sfence  }
0xb8: {  	s30 =	sld [smem:$0x0];
	_ =	sdelay $0x2  }
0xb9: {  	s31 =	sshll.u32 s1, $0xD;
	s1 =	sshrl.u32 s1, $0x2  }
0xba: {  	s3 =	sand.u32 $0x4000, s31;
	s1 =	sadd.s32 s1, s30  }
0xbb: {  	s0 =	sor.u32 s3, s0;
	s1 =	sshll.u32 s1, $0x11  }
0xbc: {  	s0 =	sor.u32 s1, s0  }
0xbd: {  	s0 =	sadd.s32 $0x8F2B, s0  }
0xbe: {  	[sflag:s0] =	ssyncadd.remote.s32 $0x1  }
0xbf: {  	_ =	sfence.sel $0xFFFF  }
0xc0: {  	[dreg:$0x0] =	wrdreg $0xFFFFFFFF;
	(pc) =	sbr.abs _section_cstart, $3  }
0xc1: {  	[dreg:$0x1] =	wrdreg $0xFFFFFFFF  }
0xc2: {  	_ =	task.clear_ibuf [dreg:s7], $0x2FFFF;
	_ =	strace $0x9FFFFFFF  }
0xc3: {  	(tm) =	ssettm $0x7FFFFFFF  }
tec
execute0_lowered:
.L_overlay_start_1:
0x0: {  	(tag) =	ssettag $0x1  }
0x1: {  	s4 =	rddreg [dreg:$0x0]  }
0x2: {  	s5 =	rddreg [dreg:$0x1]  }
0x3: {  	s2 =	rddreg [dreg:$0x2]  }
0x4: {  	s0 =	rddreg [dreg:$0x3]  }
0x5: {  	s6 =	srdreg.scid;
	s1 =	stileid.u32  }
0x6: {  	s3 =	simm.s32 $0x0;
	s11 =	simm.s32 $0x2800;
	s12 =	simm.s32 $0x1  }
0x7: {  	s15 =	simm.s32 $0x20;
	s16 =	simm.s32 $0x10;
	s7 =	smul.u32 $0x500, s1  }
0x8: {  	s17 =	simm.s32 $0x0;
	s6 =	sand.u32 $0x1, s6;
	s26 =	smul.u32 $0x2800, s1  }
0x9: {  	[smem:$0x7FF] =	sst s3;
	s10 =	smul.u32 $0xA00, s1;
	s13 =	sshll.u32 s1, $0x6  }
0xa: {  	s8 =	sshll.u32 s6, $0x7;
	s9 =	smul.u32 $0x28000, s6;
	_ =	strace $0x80000047  }
0xb: {  	s6 =	ssub.s32 $0x2, s6;
	s13 =	sor.u32 $0x1C02, s13;
	s7 =	sor.u32 s8, s7  }
0xc: {  	s28 =	sshrl.u32 s6, $0x1;
	s31 =	sshrl.u32 s10, $0x2;
	s10 =	simm.s32 $0x80  }
0xd: {  	s7 =	sshrl.u32 s7, $0x3;
	s8 =	sadd.s32 s26, s9;
	s29 =	ssub.s32 s6, s28  }
0xe: {  	s9 =	simm.s32 $0x2880;
	s7 =	sadd.s32 s7, s5;
	s30 =	sshrl.u32 s8, $0x3  }
0xf: {  	s5 =	sadd.s32 s31, s2;
	s8 =	simm.s32 $0x2;
	s4 =	sadd.s32 s4, s30  }
0x10: {  	v0 =	vimm.f32 $1.000000000e+00;
	v1 =	vimm.f32 $0.0e+00;
	s6 =	sadd.s32 $0xB800, s7;
	s7 =	smax.u32 s29, $0x1;
	s14 =	sshrl.u32 s5, $0x3  }
.LBB2_1:
0x11: {  	[tilespmem:$0x2800] =	vst v0  }
0x12: {  	[tilespmem:$0x2810] =	vst v0  }
0x13: {  	[tilespmem:$0x2820] =	vst v0  }
0x14: {  	[tilespmem:$0x2830] =	vst v0  }
0x15: {  	[tilespmem:$0x2840] =	vst v0  }
0x16: {  	[tilespmem:$0x2850] =	vst v0  }
0x17: {  	[tilespmem:$0x2860] =	vst v0  }
0x18: {  	[tilespmem:$0x2870] =	vst v0  }
0x19: {  	[tilespmem:$0x2880] =	vst v1  }
0x1a: {  	[tilespmem:$0x2890] =	vst v1  }
0x1b: {  	[tilespmem:$0x28A0] =	vst v1  }
0x1c: {  	[tilespmem:$0x28B0] =	vst v1  }
0x1d: {  	[tilespmem:$0x28C0] =	vst v1  }
0x1e: {  	[tilespmem:$0x28D0] =	vst v1  }
0x1f: {  	[tilespmem:$0x28E0] =	vst v1  }
0x20: {  	[tilespmem:$0x28F0] =	vst v1  }
0x21: {  	[tilespmem:$0x2900] =	vst v1  }
0x22: {  	[tilespmem:$0x2910] =	vst v1  }
0x23: {  	[tilespmem:$0x2920] =	vst v1  }
0x24: {  	[tilespmem:$0x2930] =	vst v1  }
0x25: {  	[tilespmem:$0x2940] =	vst v1  }
0x26: {  	[tilespmem:$0x2950] =	vst v1  }
0x27: {  	[tilespmem:$0x2960] =	vst v1  }
0x28: {  	[tilespmem:$0x2970] =	vst v1  }
0x29: {  	[tilespmem:$0x2980] =	vst v1  }
0x2a: {  	[tilespmem:$0x2990] =	vst v1  }
0x2b: {  	[tilespmem:$0x29A0] =	vst v1  }
0x2c: {  	[tilespmem:$0x29B0] =	vst v1  }
0x2d: {  	[tilespmem:$0x29C0] =	vst v1  }
0x2e: {  	[tilespmem:$0x29D0] =	vst v1  }
0x2f: {  	[tilespmem:$0x29E0] =	vst v1  }
0x30: {  	[tilespmem:$0x29F0] =	vst v1  }
0x31: {  	[tilespmem:$0x2A00] =	vst v1  }
0x32: {  	[tilespmem:$0x2A10] =	vst v1  }
0x33: {  	[tilespmem:$0x2A20] =	vst v1  }
0x34: {  	[tilespmem:$0x2A30] =	vst v1  }
0x35: {  	[tilespmem:$0x2A40] =	vst v1  }
0x36: {  	[tilespmem:$0x2A50] =	vst v1  }
0x37: {  	[tilespmem:$0x2A60] =	vst v1  }
0x38: {  	[tilespmem:$0x2A70] =	vst v1  }
0x39: {  	[tilespmem:$0x2A80] =	vst v1  }
0x3a: {  	[tilespmem:$0x2A90] =	vst v1  }
0x3b: {  	[tilespmem:$0x2AA0] =	vst v1  }
0x3c: {  	[tilespmem:$0x2AB0] =	vst v1  }
0x3d: {  	[tilespmem:$0x2AC0] =	vst v1  }
0x3e: {  	[tilespmem:$0x2AD0] =	vst v1  }
0x3f: {  	[tilespmem:$0x2AE0] =	vst v1  }
0x40: {  	[tilespmem:$0x2AF0] =	vst v1  }
0x41: {  	[tilespmem:s3], [sflag:$0x2] =	stream.linear.gather [hbm4b:s4+s3], $0x2800, $0x38;
	[tilespmem:$0x2D80] =	vst v63  }
0x42: {  	_ =	swait.ge [sflag:s8], $0x2800  }
0x43: {  	[sflag:s8] =	ssyncset.done $0x0  }
0x44: {  	[sflag:s8] =	ssyncadd.s32 $0xFFFFD800  }
0x45: {  	[spmem:s5] =	stream.linear.scatter [tilespmem:s9], [sflag:$0x2], $0x280, $0x38;
	[tilespmem:$0x2D80] =	vst v63  }
0x46: {  	_ =	swait.ge [sflag:s8], $0x280  }
0x47: {  	[sflag:s8] =	ssyncset.done $0x0  }
0x48: {  	[sflag:s8] =	ssyncadd.s32 $0xFFFFFD80  }
0x49: {  	s18 =	simm.s32 $0x0;
	[bflag:$0x0] =	sbarrier.arrive $0xFFFF  }
0x4a: {  	[spmem:s2] =	stream.indirect.scatter.add.f32 [tilespmem:s11], [sflag:$0x1], $0x1, s18, s10, $0xb8;
	[tilespmem:$0x2D80] =	vst v63  }
0x4b: {  	s24 =	simm.s32 $0x80  }
0x4c: {  	[spmem:s2] =	stream.indirect.scatter.add.f32 [tilespmem:s11], [sflag:$0x1], $0x1, s24, s10, $0xb8;
	[tilespmem:$0x2D80] =	vst v63  }
0x4d: {  	s25 =	simm.s32 $0x100  }
0x4e: {  	[spmem:s2] =	stream.indirect.scatter.add.f32 [tilespmem:s11], [sflag:$0x1], $0x1, s25, s10, $0xb8;
	[tilespmem:$0x2D80] =	vst v63  }
0x4f: {  	s26 =	simm.s32 $0x180  }
0x50: {  	[spmem:s2] =	stream.indirect.scatter.add.f32 [tilespmem:s11], [sflag:$0x1], $0x1, s26, s10, $0xb8;
	[tilespmem:$0x2D80] =	vst v63  }
0x51: {  	s28 =	simm.s32 $0x200  }
0x52: {  	[spmem:s2] =	stream.indirect.scatter.add.f32 [tilespmem:s11], [sflag:$0x1], $0x1, s28, s10, $0xb8;
	[tilespmem:$0x2D80] =	vst v63  }
0x53: {  	s29 =	simm.s32 $0x280  }
0x54: {  	[spmem:s2] =	stream.indirect.scatter.add.f32 [tilespmem:s11], [sflag:$0x1], $0x1, s29, s10, $0xb8;
	[tilespmem:$0x2D80] =	vst v63  }
0x55: {  	s30 =	simm.s32 $0x300  }
0x56: {  	[spmem:s2] =	stream.indirect.scatter.add.f32 [tilespmem:s11], [sflag:$0x1], $0x1, s30, s10, $0xb8;
	[tilespmem:$0x2D80] =	vst v63  }
0x57: {  	s31 =	simm.s32 $0x380  }
0x58: {  	[spmem:s2] =	stream.indirect.scatter.add.f32 [tilespmem:s11], [sflag:$0x1], $0x1, s31, s10, $0xb8;
	[tilespmem:$0x2D80] =	vst v63  }
0x59: {  	_ =	swait.ge [sflag:s12], $0x80  }
0x5a: {  	[sflag:s12] =	ssyncset.done $0x0  }
0x5b: {  	[sflag:s12] =	ssyncadd.s32 $0xFFFFFF80  }
0x5c: {  	_ =	swait.ge [sflag:s12], $0x80  }
0x5d: {  	[sflag:s12] =	ssyncset.done $0x0  }
0x5e: {  	[sflag:s12] =	ssyncadd.s32 $0xFFFFFF80  }
0x5f: {  	_ =	swait.ge [sflag:s12], $0x80  }
0x60: {  	[sflag:s12] =	ssyncset.done $0x0  }
0x61: {  	[sflag:s12] =	ssyncadd.s32 $0xFFFFFF80  }
0x62: {  	_ =	swait.ge [sflag:s12], $0x80  }
0x63: {  	[sflag:s12] =	ssyncset.done $0x0  }
0x64: {  	[sflag:s12] =	ssyncadd.s32 $0xFFFFFF80  }
0x65: {  	_ =	swait.ge [sflag:s12], $0x80  }
0x66: {  	[sflag:s12] =	ssyncset.done $0x0  }
0x67: {  	[sflag:s12] =	ssyncadd.s32 $0xFFFFFF80  }
0x68: {  	_ =	swait.ge [sflag:s12], $0x80  }
0x69: {  	[sflag:s12] =	ssyncset.done $0x0  }
0x6a: {  	[sflag:s12] =	ssyncadd.s32 $0xFFFFFF80  }
0x6b: {  	_ =	swait.ge [sflag:s12], $0x80  }
0x6c: {  	[sflag:s12] =	ssyncset.done $0x0  }
0x6d: {  	[sflag:s12] =	ssyncadd.s32 $0xFFFFFF80  }
0x6e: {  	_ =	swait.ge [sflag:s12], $0x80  }
0x6f: {  	s20 =	simm.s32 $0x2000;
	s18 =	simm.s32 $0x1000;
	[sflag:s12] =	ssyncset.done $0x0  }
.LBB2_2:
0x70: {  	s21 =	sshra.s32 s18, $0x2  }
0x71: {  	[sflag:s12] =	ssyncadd.s32 $0xFFFFFF80;
	s18 =	smov.u32 s20;
	s19 =	sadd.s32 $0x1000, s20  }
0x72: {  	[spmem:s2] =	stream.indirect.scatter.add.f32 [tilespmem:s11], [sflag:$0x1], $0x1, s21, s10, $0xb8;
	[tilespmem:$0x2D80] =	vst v63  }
0x73: {  	p0 =	sne.s32 s20, $0x9000;
	s20 =	sadd.s32 $0x80, s21  }
0x74: {  	[spmem:s2] =	stream.indirect.scatter.add.f32 [tilespmem:s11], [sflag:$0x1], $0x1, s20, s10, $0xb8;
	[tilespmem:$0x2D80] =	vst v63  }
0x75: {  	s20 =	sadd.s32 $0x100, s21  }
0x76: {  	[spmem:s2] =	stream.indirect.scatter.add.f32 [tilespmem:s11], [sflag:$0x1], $0x1, s20, s10, $0xb8;
	[tilespmem:$0x2D80] =	vst v63  }
0x77: {  	s20 =	sadd.s32 $0x180, s21  }
0x78: {  	[spmem:s2] =	stream.indirect.scatter.add.f32 [tilespmem:s11], [sflag:$0x1], $0x1, s20, s10, $0xb8;
	[tilespmem:$0x2D80] =	vst v63  }
0x79: {  	s20 =	sadd.s32 $0x200, s21  }
0x7a: {  	[spmem:s2] =	stream.indirect.scatter.add.f32 [tilespmem:s11], [sflag:$0x1], $0x1, s20, s10, $0xb8;
	[tilespmem:$0x2D80] =	vst v63  }
0x7b: {  	s20 =	sadd.s32 $0x280, s21  }
0x7c: {  	[spmem:s2] =	stream.indirect.scatter.add.f32 [tilespmem:s11], [sflag:$0x1], $0x1, s20, s10, $0xb8;
	[tilespmem:$0x2D80] =	vst v63  }
0x7d: {  	s20 =	sadd.s32 $0x300, s21  }
0x7e: {  	[spmem:s2] =	stream.indirect.scatter.add.f32 [tilespmem:s11], [sflag:$0x1], $0x1, s20, s10, $0xb8;
	[tilespmem:$0x2D80] =	vst v63  }
0x7f: {  	s20 =	sadd.s32 $0x380, s21  }
0x80: {  	[spmem:s2] =	stream.indirect.scatter.add.f32 [tilespmem:s11], [sflag:$0x1], $0x1, s20, s10, $0xb8;
	[tilespmem:$0x2D80] =	vst v63  }
0x81: {  	_ =	swait.ge [sflag:s12], $0x80  }
0x82: {  	[sflag:s12] =	ssyncset.done $0x0  }
0x83: {  	[sflag:s12] =	ssyncadd.s32 $0xFFFFFF80  }
0x84: {  	_ =	swait.ge [sflag:s12], $0x80  }
0x85: {  	[sflag:s12] =	ssyncset.done $0x0  }
0x86: {  	[sflag:s12] =	ssyncadd.s32 $0xFFFFFF80  }
0x87: {  	_ =	swait.ge [sflag:s12], $0x80  }
0x88: {  	[sflag:s12] =	ssyncset.done $0x0  }
0x89: {  	[sflag:s12] =	ssyncadd.s32 $0xFFFFFF80  }
0x8a: {  	_ =	swait.ge [sflag:s12], $0x80  }
0x8b: {  	[sflag:s12] =	ssyncset.done $0x0  }
0x8c: {  	[sflag:s12] =	ssyncadd.s32 $0xFFFFFF80  }
0x8d: {  	_ =	swait.ge [sflag:s12], $0x80  }
0x8e: {  	[sflag:s12] =	ssyncset.done $0x0  }
0x8f: {  	[sflag:s12] =	ssyncadd.s32 $0xFFFFFF80  }
0x90: {  	_ =	swait.ge [sflag:s12], $0x80  }
0x91: {  	[sflag:s12] =	ssyncset.done $0x0  }
0x92: {  	[sflag:s12] =	ssyncadd.s32 $0xFFFFFF80  }
.Ltmp0:
0x93: {  	_ =	swait.ge [sflag:s12], $0x80;
	(pc) =	sbr.rel @p0 .LBB2_2-.Ltmp0, $4  }
0x94: {  	[sflag:s12] =	ssyncset.done $0x0  }
0x95: {  	[sflag:s12] =	ssyncadd.s32 $0xFFFFFF80  }
0x96: {  	_ =	swait.ge [sflag:s12], $0x80  }
0x97: {  	s20 =	smov.u32 s19;
	[sflag:s12] =	ssyncset.done $0x0  }
0x98: {  	s18 =	sshra.s32 s18, $0x2;
	[sflag:s12] =	ssyncadd.s32 $0xFFFFFF80  }
0x99: {  	[spmem:s2] =	stream.indirect.scatter.add.f32 [tilespmem:s11], [sflag:$0x1], $0x1, s18, s10, $0xb8;
	[tilespmem:$0x2D80] =	vst v63  }
0x9a: {  	s19 =	sadd.s32 $0x80, s18  }
0x9b: {  	[spmem:s2] =	stream.indirect.scatter.add.f32 [tilespmem:s11], [sflag:$0x1], $0x1, s19, s10, $0xb8;
	[tilespmem:$0x2D80] =	vst v63  }
0x9c: {  	s26 =	sadd.s32 $0x100, s18  }
0x9d: {  	[spmem:s2] =	stream.indirect.scatter.add.f32 [tilespmem:s11], [sflag:$0x1], $0x1, s26, s10, $0xb8;
	[tilespmem:$0x2D80] =	vst v63  }
0x9e: {  	s28 =	sadd.s32 $0x180, s18  }
0x9f: {  	[spmem:s2] =	stream.indirect.scatter.add.f32 [tilespmem:s11], [sflag:$0x1], $0x1, s28, s10, $0xb8;
	[tilespmem:$0x2D80] =	vst v63  }
0xa0: {  	s29 =	sadd.s32 $0x200, s18  }
0xa1: {  	[spmem:s2] =	stream.indirect.scatter.add.f32 [tilespmem:s11], [sflag:$0x1], $0x1, s29, s10, $0xb8;
	[tilespmem:$0x2D80] =	vst v63  }
0xa2: {  	s30 =	sadd.s32 $0x280, s18  }
0xa3: {  	[spmem:s2] =	stream.indirect.scatter.add.f32 [tilespmem:s11], [sflag:$0x1], $0x1, s30, s10, $0xb8;
	[tilespmem:$0x2D80] =	vst v63  }
0xa4: {  	s31 =	sadd.s32 $0x300, s18  }
0xa5: {  	[spmem:s2] =	stream.indirect.scatter.add.f32 [tilespmem:s11], [sflag:$0x1], $0x1, s31, s10, $0xb8;
	[tilespmem:$0x2D80] =	vst v63  }
0xa6: {  	s18 =	sadd.s32 $0x380, s18  }
0xa7: {  	[spmem:s2] =	stream.indirect.scatter.add.f32 [tilespmem:s11], [sflag:$0x1], $0x1, s18, s10, $0xb8;
	[tilespmem:$0x2D80] =	vst v63  }
0xa8: {  	_ =	swait.ge [sflag:s12], $0x80  }
0xa9: {  	[sflag:s12] =	ssyncset.done $0x0  }
0xaa: {  	[sflag:s12] =	ssyncadd.s32 $0xFFFFFF80  }
0xab: {  	_ =	swait.ge [sflag:s12], $0x80  }
0xac: {  	[sflag:s12] =	ssyncset.done $0x0  }
0xad: {  	[sflag:s12] =	ssyncadd.s32 $0xFFFFFF80  }
0xae: {  	_ =	swait.ge [sflag:s12], $0x80  }
0xaf: {  	[sflag:s12] =	ssyncset.done $0x0  }
0xb0: {  	[sflag:s12] =	ssyncadd.s32 $0xFFFFFF80  }
0xb1: {  	_ =	swait.ge [sflag:s12], $0x80  }
0xb2: {  	[sflag:s12] =	ssyncset.done $0x0  }
0xb3: {  	[sflag:s12] =	ssyncadd.s32 $0xFFFFFF80  }
0xb4: {  	_ =	swait.ge [sflag:s12], $0x80  }
0xb5: {  	[sflag:s12] =	ssyncset.done $0x0  }
0xb6: {  	[sflag:s12] =	ssyncadd.s32 $0xFFFFFF80  }
0xb7: {  	_ =	swait.ge [sflag:s12], $0x80  }
0xb8: {  	[sflag:s12] =	ssyncset.done $0x0  }
0xb9: {  	[sflag:s12] =	ssyncadd.s32 $0xFFFFFF80  }
0xba: {  	_ =	swait.ge [sflag:s12], $0x80  }
0xbb: {  	[sflag:s12] =	ssyncset.done $0x0  }
0xbc: {  	[sflag:s12] =	ssyncadd.s32 $0xFFFFFF80  }
0xbd: {  	_ =	swait.ge [sflag:s12], $0x80  }
0xbe: {  	s17 =	sadd.s32 $0x1, s17;
	[sflag:s12] =	ssyncset.done $0x0  }
0xbf: {  	p0 =	sne.s32 s17, s7;
	[sflag:s12] =	ssyncadd.s32 $0xFFFFFF80  }
.Ltmp1:
0xc0: {  	[bflag:$0x0] =	sbarrier.arrive $0xFFFF;
	(pc) =	sbr.rel @p0 .LBB2_1-.Ltmp1, $4  }
0xc1: {  	[hbm:s6@s15], [sflag:s13] =	dma.strided [spmem:s14@s16], $0x50, s12, $0x10   }
0xc2: {  	_ =	swait.ge [sflag:s8], $0x50  }
0xc3: {  	[sflag:s8] =	ssyncset.done $0x0  }
0xc4: {  	[sflag:s8] =	ssyncadd.s32 $0xFFFFFFB0  }
0xc5: {  	_ =	sfence.sel $0x180000  }
0xc6: {  	[bflag:$0x0] =	sbarrier.arrive $0xFFFF  }
0xc7: {  	p0 =	sne.s32 s1, $0x0;
	_ =	strace $0x90000047  }
0xc8: {  	s0 =	sadd.s32 @!p0 $0x100000, s0;
	[bflag:$0x2] =	sbarrier.arrive $0xFFFF  }
0xc9: {  	[sflag:s0] =	ssyncadd.tile.s32 @!p0 $0x1;
	_ =	shalt  }
.Lfunc_end2:
_tile_overlayer_lowered:
.L_overlay_start_2:
0xca: {  	(tag) =	ssettag $0x2  }
0xcb: {  	s0 =	rddreg [dreg:$0x0];
	s2 =	stileid.u32  }
0xcc: {  	s1 =	rddreg [dreg:$0x1];
	p0 =	sne.s32 s2, $0x0  }
0xcd: {  	s3 =	rddreg [dreg:$0x2];
	[bflag:$0x3] =	sbarrier.arrive $0xFFFF;
	s2 =	simm.s32 @!p0 $0x1C02  }
0xce: {  	[timem:s3], [sflag:s2] =	dma.local @!p0 [hbm:s0], s1  }
0xcf: {  	s0 =	simm.s32 @!p0 $0x2  }
0xd0: {  	_ =	swait.ge @!p0 [sflag:s0], s1  }
0xd1: {  	s1 =	ssub.s32 @!p0 $0x0, s1;
	[sflag:s0] =	ssyncset.done @!p0 $0x0  }
0xd2: {  	[sflag:s0] =	ssyncadd.s32 @!p0 s1  }
0xd3: {  	[bflag:$0x3] =	sbarrier.arrive $0xFFFF  }
0xd4: {  	_ =	shalt  }

// kernel: kernel.9.cloned.1.call-start
scs
__scs_entry_jumppad:
0x0: {  	(pc) =	sbr.rel $0x88, $3  }
0x1: {  	(tag) =	ssettag $0x0;
	lr =	simm.s32 $0x1  }
0x2: {  	[smem:$0x3F9B] =	sst lr;
	_ =	strace $0xD0000000  }
0x3: {  	_ = 	snop  }
0x4: {  	_ = 	snop  }
0x5: {  	_ = 	snop  }
0x6: {  	_ = 	snop  }
0x7: {  	_ = 	snop  }
__scs_overlays_trampoline_lowered:
0x8: {  	[smem:$0x3FAA] =	sst s0  }
0x9: {  	[smem:$0x3FAB] =	sst s1  }
0xa: {  	[smem:$0x3FAC] =	sst s2  }
0xb: {  	[smem:$0x3FAD] =	sst s3  }
0xc: {  	[smem:$0x3FAE] =	sst s4  }
0xd: {  	[smem:$0x3FAF] =	sst s5  }
0xe: {  	[smem:$0x3FB0] =	sst s6  }
0xf: {  	[smem:$0x3FB1] =	sst s7  }
0x10: {  	[smem:$0x3FB2] =	sst s8  }
0x11: {  	[smem:$0x3FB3] =	sst s9;
	s0 =	simm.s32 @!p0 $0x0  }
0x12: {  	s1 =	sld [smem:$0x3F99];
	s0 =	simm.s32 @p0 $0x1  }
0x13: {  	[smem:$0x3FB4] =	sst s0;
	s0 =	simm.s32 @!p1 $0x0  }
0x14: {  	s2 =	sld [smem:$0x3F98];
	s0 =	simm.s32 @p1 $0x1  }
0x15: {  	[smem:$0x3FB5] =	sst s0;
	s0 =	simm.s32 @!p2 $0x0  }
0x16: {  	s3 =	sld [smem:$0x3FDB];
	s0 =	simm.s32 @p2 $0x1  }
0x17: {  	s4 =	simm.s32 $0x1BF5;
	[smem:$0x3FB7] =	sst s0  }
0x18: {  	s0 =	sld [smem:$0x3F9A];
	_ =	swait.ge [sflag:s4], $0x0  }
0x19: {  	s7 =	sld [smem:$0x3F9B]  }
0x1a: {  	s8 =	sadd.s32 $0xFFFFE003, lr  }
0x1b: {  	s9 =	sadd.s32 $0xFFFFFEF7, lr;
	s5 =	simm.s32 $0xFFFFFFFF;
	p2 =	slt.u32 s8, $0xFFFFF086  }
0x1c: {  	p1 =	slt.u32 s9, $0xF7A;
	s5 =	simm.s32 @!p2 $0x0  }
0x1d: {  	s5 =	simm.s32 @p1 $0x1;
	p0 =	seq.s32 s7, s2  }
0x1e: {  	s7 =	smul.u32 @!p0 $0xF7A, s2;
	p2 =	seq.s32 @!p0 s5, $0x0  }
0x1f: {  	s9 =	smul.u32 $0xF7A, s1;
	s8 =	simm.s32 @!p0 $0x1BF5;
	p2 =	por !p2, p0  }
0x20: {  	[sflag:s8] =	ssyncset.s32 @!p0 $0xFFFFF086;
	s6 =	sadd.s32 @!p0 s3, s7;
	s7 =	simm.s32 @!p0 $0x108  }
0x21: {  	s3 =	sadd.s32 s3, s9;
	s6 =	sadd.s32 @!p0 $0x88, s6;
	s7 =	simm.s32 @p2 $0x1082  }
0x22: {  	[simem:s7], [sflag:s8] =	dma.local @!p0 [hbm:s6], $0xF7A  }
0x23: {  	s9 =	sor.u32 $0xD0000000, s2;
	s6 =	simm.s32 $0x108;
	_ =	swait.ge @!p0 [sflag:s8], $0x0  }
0x24: {  	s3 =	sadd.s32 $0x88, s3;
	s6 =	simm.s32 @!p1 $0x1082;
	[sflag:s4] =	ssyncset.s32 $0xFFFFF086  }
0x25: {  	[simem:s6], [sflag:s4] =	dma.local [hbm:s3], $0xF7A  }
0x26: {  	[smem:$0x3F9B] =	sst s1;
	(tag) =	ssettag s2;
	_ =	strace s9  }
0x27: {  	s1 =	sld [smem:$0x3FAB]  }
0x28: {  	s2 =	sld [smem:$0x3FAC]  }
0x29: {  	s4 =	sld [smem:$0x3FAE]  }
0x2a: {  	p0 =	seq.s32 s5, $0x0;
	s5 =	sld [smem:$0x3FAF]  }
0x2b: {  	s6 =	sld [smem:$0x3FB0]  }
0x2c: {  	s7 =	sld [smem:$0x3FB1]  }
0x2d: {  	s3 =	simm.s32 $0x108;
	s8 =	sld [smem:$0x3FB2]  }
0x2e: {  	s3 =	simm.s32 @!p0 $0x1082;
	s9 =	sld [smem:$0x3FB3]  }
0x2f: {  	lr =	sadd.s32 s0, s3;
	s0 =	sld [smem:$0x3FAA]  }
0x30: {  	s3 =	sld [smem:$0x3FAD]  }
0x31: {  	[smem:$0x3FB6] =	sst s10  }
0x32: {  	s10 =	sld [smem:$0x3FB4];
	_ =	sdelay $0x3  }
0x33: {  	p0 =	seq.s32 s10, $0x1;
	s10 =	sld [smem:$0x3FB6];
	_ =	sdelay $0x3  }
0x34: {  	[smem:$0x3FB6] =	sst s10  }
0x35: {  	s10 =	sld [smem:$0x3FB5];
	_ =	sdelay $0x3  }
0x36: {  	p1 =	seq.s32 s10, $0x1;
	s10 =	sld [smem:$0x3FB6];
	_ =	sdelay $0x3  }
0x37: {  	[smem:$0x3FB6] =	sst s10  }
0x38: {  	s10 =	sld [smem:$0x3FB7]  }
0x39: {  	_ = 	snop;
	(pc) =	sbr.ind lr, $3  }
0x3a: {  	_ = 	snop  }
0x3b: {  	_ = 	snop  }
0x3c: {  	p2 =	seq.s32 s10, $0x1;
	s10 =	sld [smem:$0x3FB6]  }
0x3d: {  	_ =	shalt  }
0x3e: {  	_ =	shalt  }
0x3f: {  	_ =	shalt  }
0x40: {  	_ =	shalt  }
0x41: {  	_ =	shalt  }
0x42: {  	_ =	shalt  }
0x43: {  	_ =	shalt  }
0x44: {  	_ =	shalt  }
0x45: {  	_ =	shalt  }
0x46: {  	_ =	shalt  }
0x47: {  	_ =	shalt  }
0x48: {  	_ =	shalt  }
0x49: {  	_ =	shalt  }
0x4a: {  	_ =	shalt  }
0x4b: {  	_ =	shalt  }
0x4c: {  	_ =	shalt  }
0x4d: {  	_ =	shalt  }
0x4e: {  	_ =	shalt  }
0x4f: {  	_ =	shalt  }
0x50: {  	_ =	shalt  }
0x51: {  	_ =	shalt  }
0x52: {  	_ =	shalt  }
0x53: {  	_ =	shalt  }
0x54: {  	_ =	shalt  }
0x55: {  	_ =	shalt  }
0x56: {  	_ =	shalt  }
0x57: {  	_ =	shalt  }
0x58: {  	_ =	shalt  }
0x59: {  	_ =	shalt  }
0x5a: {  	_ =	shalt  }
0x5b: {  	_ =	shalt  }
0x5c: {  	_ =	shalt  }
0x5d: {  	_ =	shalt  }
0x5e: {  	_ =	shalt  }
0x5f: {  	_ =	shalt  }
0x60: {  	_ =	shalt  }
0x61: {  	_ =	shalt  }
0x62: {  	_ =	shalt  }
0x63: {  	_ =	shalt  }
0x64: {  	_ =	shalt  }
0x65: {  	_ =	shalt  }
0x66: {  	_ =	shalt  }
0x67: {  	_ =	shalt  }
0x68: {  	_ =	shalt  }
0x69: {  	_ =	shalt  }
0x6a: {  	_ =	shalt  }
0x6b: {  	_ =	shalt  }
0x6c: {  	_ =	shalt  }
0x6d: {  	_ =	shalt  }
0x6e: {  	_ =	shalt  }
0x6f: {  	_ =	shalt  }
0x70: {  	_ =	shalt  }
0x71: {  	_ =	shalt  }
0x72: {  	_ =	shalt  }
0x73: {  	_ =	shalt  }
0x74: {  	_ =	shalt  }
0x75: {  	_ =	shalt  }
0x76: {  	_ =	shalt  }
0x77: {  	_ =	shalt  }
0x78: {  	_ =	shalt  }
0x79: {  	_ =	shalt  }
0x7a: {  	_ =	shalt  }
0x7b: {  	_ =	shalt  }
0x7c: {  	_ =	shalt  }
0x7d: {  	_ =	shalt  }
0x7e: {  	_ =	shalt  }
0x7f: {  	_ =	shalt  }
0x80: {  	_ =	shalt  }
0x81: {  	_ =	shalt  }
0x82: {  	_ =	shalt  }
0x83: {  	_ =	shalt  }
0x84: {  	_ =	shalt  }
0x85: {  	_ =	shalt  }
0x86: {  	_ =	shalt  }
0x87: {  	_ =	shalt  }
.Lfunc_end0:
.L_simem_size_0:
called_computation.1_lowered:
.L_overlay_start_0:
0x88: {  	s2 =	sld [smem:$0x3FD9]  }
0x89: {  	s3 =	sld [smem:$0x3FFE];
	_ =	sdelay $0x1  }
0x8a: {  	s1 =	srdreg.scid  }
0x8b: {  	s0 =	sand.u32 $0x1, s1  }
0x8c: {  	s17 =	sshll.u32 s0, $0xA;
	s2 =	sadd.s32 s3, s2  }
0x8d: {  	s2 =	sadd.s32 s2, s17  }
0x8e: {  	[smem:$0x3FC2] =	sst s2  }
0x8f: {  	_ = 	snop  }
0x90: {  	s2 =	sld [smem:$0x3FD0];
	(tm) =	ssettm $0x1  }
0x91: {  	s18 =	sld [smem:$0x3FFB];
	_ =	sdelay $0x3  }
0x92: {  	_ =	strace s18  }
0x93: {  	s3 =	sld [smem:$0x3FFC];
	_ =	sdelay $0x3  }
0x94: {  	_ =	strace s3  }
0x95: {  	s3 =	sld [smem:$0x3FFD];
	_ =	sdelay $0x3  }
0x96: {  	_ =	strace s3  }
0x97: {  	_ =	strace $0x8FFFFFFF  }
0x98: {  	s19 =	sld [smem:$0x3FDB];
	_ =	sdelay $0x1  }
0x99: {  	s4 =	simm.s32 $_scs_section_size  }
0x9a: {  	s5 =	simm.s32 $_size__tile_overlayer_lowered;
	s6 =	simm.s32 $_tile_overlayer_lowered  }
0x9b: {  	s22 =	simm.s32 $0x1BFF;
	s21 =	sshll.u32 s6, $0x1;
	s3 =	sadd.s32 s4, s19  }
0x9c: {  	s7 =	simm.s32 $0x0;
	s20 =	sshll.u32 s5, $0x1;
	s5 =	sadd.s32 s21, s3  }
0x9d: {  	[timem:s7], [sflag:s22] =	dma.local [hbm:s5], s20  }
0x9e: {  	_ =	swait.ge [sflag:s22], s20  }
0x9f: {  	s4 =	ssub.s32 $0x0, s20;
	[sflag:s22] =	ssyncset.done $0x0  }
0xa0: {  	[sflag:s22] =	ssyncadd.s32 s4;
	_ =	sdelay $0x1  }
0xa1: {  	s23 =	simm.s32 $0x1B8B  }
0xa2: {  	_ =	swait.ge [sflag:s23], $0x1  }
0xa3: {  	[sflag:s23] =	ssyncset.done $0x0  }
0xa4: {  	s25 =	simm.s32 $0x1B8E;
	s24 =	sld [smem:$0x3FFE];
	[sflag:s23] =	ssyncadd.s32 $0xFFFFFFFF  }
0xa5: {  	s26 =	simm.s32 $execute0_lowered;
	[smem:$0x3FD2] =	sst s25  }
0xa6: {  	s5 =	sshll.u32 s26, $0x1;
	_ =	strace $0x80000049;
	[dreg:$0x1] =	wrdreg $0xFFFFFFFF  }
0xa7: {  	s28 =	simm.s32 $_size_execute0_lowered;
	s3 =	sadd.s32 s3, s5;
	[dreg:$0x0] =	wrdreg $0x0  }
0xa8: {  	s5 =	sshll.u32 s28, $0x1;
	[dreg:$0x2] =	wrdreg s3  }
0xa9: {  	[dreg:$0x3] =	wrdreg s5  }
0xaa: {  	[dreg:$0x4] =	wrdreg $0xC0  }
0xab: {  	_ =	task [dreg:s7], $0x5FFFF  }
0xac: {  	[dreg:$0x1] =	wrdreg $0xFFFFFFFF  }
0xad: {  	[dreg:$0x0] =	wrdreg $0x60  }
0xae: {  	[dreg:$0x2] =	wrdreg s24  }
0xaf: {  	[dreg:$0x3] =	wrdreg s2  }
0xb0: {  	[dreg:$0x4] =	wrdreg $0xA9000  }
0xb1: {  	[dreg:$0x5] =	wrdreg $0x9  }
0xb2: {  	_ =	task.clear_ibuf [dreg:s7], $0x6FFFF;
	_ =	strace $0x90000049  }
0xb3: {  	s29 =	simm.s32 $0x9;
	_ =	strace $0x8000004B  }
0xb4: {  	_ =	swait.ge [sflag:s29], $0x1  }
0xb5: {  	[sflag:s29] =	ssyncadd.s32 $0xFFFFFFFF  }
0xb6: {  	_ =	strace $0x9000004B  }
0xb7: {  	_ =	sfence  }
0xb8: {  	s30 =	sld [smem:$0x0];
	_ =	sdelay $0x2  }
0xb9: {  	s31 =	sshll.u32 s1, $0xD;
	s1 =	sshrl.u32 s1, $0x2  }
0xba: {  	s3 =	sand.u32 $0x4000, s31;
	s1 =	sadd.s32 s1, s30  }
0xbb: {  	s0 =	sor.u32 s3, s0;
	s1 =	sshll.u32 s1, $0x11  }
0xbc: {  	s0 =	sor.u32 s1, s0  }
0xbd: {  	s0 =	sadd.s32 $0x8F2B, s0  }
0xbe: {  	[sflag:s0] =	ssyncadd.remote.s32 $0x1  }
0xbf: {  	_ =	sfence.sel $0xFFFF  }
0xc0: {  	[dreg:$0x0] =	wrdreg $0xFFFFFFFF;
	(pc) =	sbr.abs _section_cstart, $3  }
0xc1: {  	[dreg:$0x1] =	wrdreg $0xFFFFFFFF  }
0xc2: {  	_ =	task.clear_ibuf [dreg:s7], $0x2FFFF;
	_ =	strace $0x9FFFFFFF  }
0xc3: {  	(tm) =	ssettm $0x7FFFFFFF  }
tec
execute0_lowered:
.L_overlay_start_1:
0x0: {  	(tag) =	ssettag $0x1  }
0x1: {  	s0 =	rddreg [dreg:$0x0]  }
0x2: {  	s1 =	srdreg.scid;
	s2 =	rddreg [dreg:$0x1]  }
0x3: {  	s19 =	stileid.u32;
	s3 =	rddreg [dreg:$0x2];
	s4 =	simm.s32 $0x0  }
0x4: {  	s15 =	simm.s32 $0x7;
	s16 =	simm.s32 $0x2800;
	s17 =	simm.s32 $0x2880  }
0x5: {  	s20 =	simm.s32 $0x80;
	s28 =	simm.s32 $0x2;
	s7 =	smul.u32 $0x2800, s19  }
0x6: {  	s29 =	simm.s32 $0x6;
	s30 =	simm.s32 $0x4;
	s10 =	smul.u32 $0x14000, s19  }
0x7: {  	s1 =	sand.u32 $0x1, s1;
	[smem:$0x7FF] =	sst s4;
	s13 =	smul.u32 $0x50000, s19  }
0x8: {  	s6 =	sadd.s32 $0xB800, s0;
	s18 =	sadd.s32 $0x33800, s0;
	s5 =	smul.u32 $0x28000, s1  }
0x9: {  	s31 =	sshll.u32 s19, $0x6;
	s8 =	smul.u32 $0x140000, s1;
	_ =	strace $0x8000004A  }
0xa: {  	s21 =	ssub.s32 $0x2, s1;
	p0 =	seq.s32 s1, $0x1;
	s1 =	simm.s32 $0x0  }
0xb: {  	s12 =	sshrl.u32 s21, $0x1;
	s23 =	sshrl.u32 s13, $0x2;
	s5 =	sadd.s32 s7, s5  }
0xc: {  	s8 =	sadd.s32 s10, s8;
	s12 =	ssub.s32 s21, s12;
	s25 =	sadd.s32 s23, s3  }
0xd: {  	s10 =	sadd.s32 s6, s7;
	s21 =	simm.s32 $0x2900;
	s23 =	simm.s32 $0x5  }
0xe: {  	s9 =	sshrl.u32 s5, $0x3;
	s8 =	sshrl.u32 s8, $0x3;
	s26 =	smax.u32 s12, $0x1  }
0xf: {  	s10 =	smov.u32 @p0 s18;
	s18 =	sor.u32 $0x1C07, s31;
	s19 =	sshrl.u32 s25, $0x3  }
0x10: {  	s25 =	simm.s32 $0x3;
	s11 =	sadd.s32 s9, s0;
	s0 =	sadd.s32 s8, s0  }
0x11: {  	s8 =	sadd.s32 s2, s9;
	[dreg:$0x7] =	wrdreg s26;
	s22 =	sadd.s32 $0x1800, s11  }
0x12: {  	s24 =	sadd.s32 $0x10, s8;
	s0 =	sadd.s32 $0x36000, s0;
	[dreg:$0x4] =	wrdreg s22  }
0x13: {  	s13 =	sadd.s32 $0x20, s8;
	s14 =	sadd.s32 $0x4F0, s8;
	[dreg:$0x5] =	wrdreg s24  }
0x14: {  	[dreg:$0x6] =	wrdreg s0;
	s22 =	simm.s32 $0x1;
	s24 =	simm.s32 $0x6900  }
.LBB2_1:
0x15: {  	s0 =	rddreg [dreg:$0x4]  }
0x16: {  	[tilespmem:s4], [sflag:$0x7] =	stream.linear.gather [hbm4b:s0+s4], $0x2800, $0x38;
	[tilespmem:$0x1E900] =	vst v63  }
0x17: {  	_ =	swait.ge [sflag:s15], $0x2800  }
0x18: {  	[sflag:s15] =	ssyncset.done $0x0  }
0x19: {  	[sflag:s15] =	ssyncadd.s32 $0xFFFFD800  }
0x1a: {  	[tilespmem:s16], [sflag:$0x5] =	stream.linear.gather [hbm4b:s8+s4], $0x80, $0x38;
	[tilespmem:$0x1E900] =	vst v63  }
0x1b: {  	s7 =	rddreg [dreg:$0x5]  }
0x1c: {  	[tilespmem:s17], [sflag:$0x6] =	stream.linear.gather [hbm4b:s7+s4], $0x80, $0x38;
	[tilespmem:$0x1E900] =	vst v63  }
0x1d: {  	[spmem:s19], [sflag:s18] =	dma.local [hbm:s10], $0x2800  }
0x1e: {  	_ =	swait.ge [sflag:s15], $0x2800  }
0x1f: {  	[sflag:s15] =	ssyncset.done $0x0  }
0x20: {  	[sflag:s15] =	ssyncadd.s32 $0xFFFFD800  }
0x21: {  	[tilespmem:s21], [sflag:$0x1] =	stream.indirect.gather [hbm4b:s6+s20], $0x80, s4, s20, $0xb8;
	[tilespmem:$0x1E900] =	vst v63  }
0x22: {  	[bflag:$0x0] =	sbarrier.arrive $0xFFFF  }
0x23: {  	_ =	swait.ge [sflag:s22], $0x4000  }
0x24: {  	[sflag:s22] =	ssyncset.done $0x0  }
0x25: {  	[sflag:s22] =	ssyncadd.s32 $0xFFFFC000  }
0x26: {  	_ =	swait.ge [sflag:s23], $0x80  }
0x27: {  	[sflag:s23] =	ssyncset.done $0x0  }
0x28: {  	[sflag:s23] =	ssyncadd.s32 $0xFFFFFF80  }
0x29: {  	[spmem:s3] =	stream.indirect.scatter.add.f32 [tilespmem:s21], [sflag:$0x3], $0x80, s16, s20, $0xb8;
	[tilespmem:$0x1E900] =	vst v63  }
0x2a: {  	_ = 	snop  }
0x2b: {  	[tilespmem:s24], [sflag:$0x2] =	stream.indirect.gather [hbm4b:s6+s20], $0x80, s20, s20, $0xb8;
	[tilespmem:$0x1E900] =	vst v63  }
0x2c: {  	_ =	swait.ge [sflag:s25], $0x4000  }
0x2d: {  	[sflag:s25] =	ssyncset.done $0x0  }
0x2e: {  	[sflag:s25] =	ssyncadd.s32 $0xFFFFC000  }
0x2f: {  	[tilespmem:s16], [sflag:$0x5] =	stream.linear.gather [hbm4b:s13+s4], $0x80, $0x38;
	[tilespmem:$0x1E900] =	vst v63  }
0x30: {  	s9 =	simm.s32 $0x100  }
0x31: {  	[tilespmem:s21], [sflag:$0x1] =	stream.indirect.gather [hbm4b:s6+s20], $0x80, s9, s20, $0xb8;
	[tilespmem:$0x1E900] =	vst v63  }
0x32: {  	_ =	swait.ge [sflag:s28], $0x4000  }
0x33: {  	[sflag:s28] =	ssyncset.done $0x0  }
0x34: {  	[sflag:s28] =	ssyncadd.s32 $0xFFFFC000  }
0x35: {  	s11 =	simm.s32 $0x100;
	_ =	swait.ge [sflag:s29], $0x80  }
0x36: {  	s0 =	sand.u32 $0x3C00, s11;
	s7 =	simm.s32 $0x180;
	[sflag:s29] =	ssyncset.done $0x0  }
0x37: {  	s0 =	sadd.s32 s5, s0;
	s7 =	sand.u32 $0x380, s7;
	[sflag:s29] =	ssyncadd.s32 $0xFFFFFF80  }
0x38: {  	[spmem:s3] =	stream.indirect.scatter.add.f32 [tilespmem:s24], [sflag:$0x4], $0x80, s17, s20, $0xb8;
	[tilespmem:$0x1E900] =	vst v63  }
0x39: {  	s0 =	sor.u32 s0, s7;
	_ =	swait.ge [sflag:s30], $0x4000  }
0x3a: {  	s0 =	sshrl.u32 s0, $0x3;
	[sflag:s30] =	ssyncset.done $0x0  }
0x3b: {  	s0 =	sadd.s32 s2, s0;
	[sflag:s30] =	ssyncadd.s32 $0xFFFFC000  }
0x3c: {  	[tilespmem:s17], [sflag:$0x6] =	stream.linear.gather [hbm4b:s0+s4], $0x80, $0x38;
	[tilespmem:$0x1E900] =	vst v63  }
0x3d: {  	_ =	swait.ge [sflag:s22], $0x4000  }
0x3e: {  	[sflag:s22] =	ssyncset.done $0x0  }
0x3f: {  	[sflag:s22] =	ssyncadd.s32 $0xFFFFC000  }
0x40: {  	_ =	swait.ge [sflag:s23], $0x80  }
0x41: {  	s12 =	simm.s32 $0x200;
	[sflag:s23] =	ssyncset.done $0x0  }
0x42: {  	s26 =	sand.u32 $0x7C00, s12;
	[sflag:s23] =	ssyncadd.s32 $0xFFFFFF80  }
0x43: {  	[spmem:s3] =	stream.indirect.scatter.add.f32 [tilespmem:s21], [sflag:$0x3], $0x80, s16, s20, $0xb8;
	[tilespmem:$0x1E900] =	vst v63  }
0x44: {  	s7 =	sadd.s32 s5, s26;
	s9 =	simm.s32 $0x180;
	s0 =	sand.u32 $0x300, s12  }
0x45: {  	[tilespmem:s24], [sflag:$0x2] =	stream.indirect.gather [hbm4b:s6+s20], $0x80, s9, s20, $0xb8;
	[tilespmem:$0x1E900] =	vst v63  }
0x46: {  	s0 =	sor.u32 s0, s7;
	_ =	swait.ge [sflag:s25], $0x4000  }
0x47: {  	s0 =	sshrl.u32 s0, $0x3;
	[sflag:s25] =	ssyncset.done $0x0  }
0x48: {  	s0 =	sadd.s32 s2, s0;
	[sflag:s25] =	ssyncadd.s32 $0xFFFFC000  }
0x49: {  	[tilespmem:s16], [sflag:$0x5] =	stream.linear.gather [hbm4b:s0+s4], $0x80, $0x38;
	[tilespmem:$0x1E900] =	vst v63  }
0x4a: {  	s11 =	simm.s32 $0x200  }
0x4b: {  	[tilespmem:s21], [sflag:$0x1] =	stream.indirect.gather [hbm4b:s6+s20], $0x80, s11, s20, $0xb8;
	[tilespmem:$0x1E900] =	vst v63  }
0x4c: {  	_ =	swait.ge [sflag:s28], $0x4000  }
0x4d: {  	[sflag:s28] =	ssyncset.done $0x0  }
0x4e: {  	s31 =	simm.s32 $0x400;
	s12 =	simm.s32 $0x200;
	[sflag:s28] =	ssyncadd.s32 $0xFFFFC000  }
0x4f: {  	s26 =	simm.s32 $0x300;
	s7 =	sand.u32 $0x3C00, s12;
	_ =	swait.ge [sflag:s29], $0x80  }
0x50: {  	s9 =	simm.s32 $0x280;
	s0 =	simm.s32 $0x280;
	[sflag:s29] =	ssyncset.done $0x0  }
.LBB2_2:
0x51: {  	s7 =	sadd.s32 s5, s7  }
0x52: {  	s9 =	sand.u32 $0x380, s9;
	[sflag:s29] =	ssyncadd.s32 $0xFFFFFF80;
	s11 =	smov.u32 s31  }
0x53: {  	[spmem:s3] =	stream.indirect.scatter.add.f32 [tilespmem:s24], [sflag:$0x4], $0x80, s17, s20, $0xb8;
	[tilespmem:$0x1E900] =	vst v63  }
0x54: {  	s12 =	sadd.s32 $0x100, s31;
	s7 =	sor.u32 s7, s9;
	_ =	swait.ge [sflag:s30], $0x4000  }
0x55: {  	p0 =	sne.s32 s31, $0x2700;
	s7 =	sshrl.u32 s7, $0x3;
	[sflag:s30] =	ssyncset.done $0x0  }
0x56: {  	s7 =	sadd.s32 s2, s7;
	[sflag:s30] =	ssyncadd.s32 $0xFFFFC000  }
0x57: {  	[tilespmem:s17], [sflag:$0x6] =	stream.linear.gather [hbm4b:s7+s4], $0x80, $0x38;
	[tilespmem:$0x1E900] =	vst v63  }
0x58: {  	_ =	swait.ge [sflag:s22], $0x4000  }
0x59: {  	[sflag:s22] =	ssyncset.done $0x0  }
0x5a: {  	[sflag:s22] =	ssyncadd.s32 $0xFFFFC000  }
0x5b: {  	_ =	swait.ge [sflag:s23], $0x80  }
0x5c: {  	[sflag:s23] =	ssyncset.done $0x0  }
0x5d: {  	s7 =	sand.u32 $0x7C00, s26;
	[sflag:s23] =	ssyncadd.s32 $0xFFFFFF80  }
0x5e: {  	[spmem:s3] =	stream.indirect.scatter.add.f32 [tilespmem:s21], [sflag:$0x3], $0x80, s16, s20, $0xb8;
	[tilespmem:$0x1E900] =	vst v63  }
0x5f: {  	s9 =	sand.u32 $0x300, s26;
	s26 =	smov.u32 s11;
	s7 =	sadd.s32 s5, s7  }
0x60: {  	[tilespmem:s24], [sflag:$0x2] =	stream.indirect.gather [hbm4b:s6+s20], $0x80, s0, s20, $0xb8;
	[tilespmem:$0x1E900] =	vst v63  }
0x61: {  	s7 =	sor.u32 s9, s7;
	_ =	swait.ge [sflag:s25], $0x4000  }
0x62: {  	s7 =	sshrl.u32 s7, $0x3;
	[sflag:s25] =	ssyncset.done $0x0  }
0x63: {  	s7 =	sadd.s32 s2, s7;
	[sflag:s25] =	ssyncadd.s32 $0xFFFFC000  }
0x64: {  	[tilespmem:s16], [sflag:$0x5] =	stream.linear.gather [hbm4b:s7+s4], $0x80, $0x38;
	[tilespmem:$0x1E900] =	vst v63  }
0x65: {  	s7 =	sadd.s32 $0x80, s0  }
0x66: {  	[tilespmem:s21], [sflag:$0x1] =	stream.indirect.gather [hbm4b:s6+s20], $0x80, s7, s20, $0xb8;
	[tilespmem:$0x1E900] =	vst v63  }
.Ltmp0:
0x67: {  	_ =	swait.ge [sflag:s28], $0x4000;
	(pc) =	sbr.rel @p0 .LBB2_2-.Ltmp0, $4  }
0x68: {  	[sflag:s28] =	ssyncset.done $0x0  }
0x69: {  	s31 =	smov.u32 s12;
	[sflag:s28] =	ssyncadd.s32 $0xFFFFC000  }
0x6a: {  	s0 =	sadd.s32 $0x100, s0;
	s7 =	sadd.s32 $0xFFFFFF00, s26;
	_ =	swait.ge [sflag:s29], $0x80  }
0x6b: {  	s9 =	sadd.s32 $0xFFFFFF80, s26;
	s7 =	sand.u32 $0x3C00, s7;
	[sflag:s29] =	ssyncset.done $0x0  }
0x6c: {  	s7 =	sadd.s32 s5, s7;
	s9 =	sand.u32 $0x380, s9;
	[sflag:s29] =	ssyncadd.s32 $0xFFFFFF80  }
0x6d: {  	[spmem:s3] =	stream.indirect.scatter.add.f32 [tilespmem:s24], [sflag:$0x4], $0x80, s17, s20, $0xb8;
	[tilespmem:$0x1E900] =	vst v63  }
0x6e: {  	s7 =	sor.u32 s7, s9;
	_ =	swait.ge [sflag:s30], $0x4000  }
0x6f: {  	s7 =	sshrl.u32 s7, $0x3;
	[sflag:s30] =	ssyncset.done $0x0  }
0x70: {  	s7 =	sadd.s32 s2, s7;
	[sflag:s30] =	ssyncadd.s32 $0xFFFFC000  }
0x71: {  	[tilespmem:s17], [sflag:$0x6] =	stream.linear.gather [hbm4b:s7+s4], $0x80, $0x38;
	[tilespmem:$0x1E900] =	vst v63  }
0x72: {  	_ =	swait.ge [sflag:s22], $0x4000  }
0x73: {  	[sflag:s22] =	ssyncset.done $0x0  }
0x74: {  	[sflag:s22] =	ssyncadd.s32 $0xFFFFC000  }
0x75: {  	_ =	swait.ge [sflag:s23], $0x80  }
0x76: {  	[sflag:s23] =	ssyncset.done $0x0  }
0x77: {  	s12 =	sand.u32 $0x7C00, s26;
	[sflag:s23] =	ssyncadd.s32 $0xFFFFFF80  }
0x78: {  	[spmem:s3] =	stream.indirect.scatter.add.f32 [tilespmem:s21], [sflag:$0x3], $0x80, s16, s20, $0xb8;
	[tilespmem:$0x1E900] =	vst v63  }
0x79: {  	s31 =	sand.u32 $0x300, s26;
	s7 =	sadd.s32 s5, s12  }
0x7a: {  	[tilespmem:s24], [sflag:$0x2] =	stream.indirect.gather [hbm4b:s6+s20], $0x80, s0, s20, $0xb8;
	[tilespmem:$0x1E900] =	vst v63  }
0x7b: {  	s7 =	sor.u32 s31, s7;
	_ =	swait.ge [sflag:s25], $0x4000  }
0x7c: {  	s7 =	sshrl.u32 s7, $0x3;
	[sflag:s25] =	ssyncset.done $0x0  }
0x7d: {  	s7 =	sadd.s32 s2, s7;
	[sflag:s25] =	ssyncadd.s32 $0xFFFFC000  }
0x7e: {  	[tilespmem:s16], [sflag:$0x5] =	stream.linear.gather [hbm4b:s7+s4], $0x80, $0x38;
	[tilespmem:$0x1E900] =	vst v63  }
0x7f: {  	s11 =	sadd.s32 $0x80, s0  }
0x80: {  	[tilespmem:s21], [sflag:$0x1] =	stream.indirect.gather [hbm4b:s6+s20], $0x80, s11, s20, $0xb8;
	[tilespmem:$0x1E900] =	vst v63  }
0x81: {  	_ =	swait.ge [sflag:s28], $0x4000  }
0x82: {  	[sflag:s28] =	ssyncset.done $0x0  }
0x83: {  	[sflag:s28] =	ssyncadd.s32 $0xFFFFC000  }
0x84: {  	_ =	swait.ge [sflag:s29], $0x80  }
0x85: {  	[sflag:s29] =	ssyncset.done $0x0  }
0x86: {  	[sflag:s29] =	ssyncadd.s32 $0xFFFFFF80  }
0x87: {  	[spmem:s3] =	stream.indirect.scatter.add.f32 [tilespmem:s24], [sflag:$0x4], $0x80, s17, s20, $0xb8;
	[tilespmem:$0x1E900] =	vst v63  }
0x88: {  	_ =	swait.ge [sflag:s30], $0x4000  }
0x89: {  	[sflag:s30] =	ssyncset.done $0x0  }
0x8a: {  	[sflag:s30] =	ssyncadd.s32 $0xFFFFC000  }
0x8b: {  	[tilespmem:s17], [sflag:$0x6] =	stream.linear.gather [hbm4b:s14+s4], $0x80, $0x38;
	[tilespmem:$0x1E900] =	vst v63  }
0x8c: {  	_ =	swait.ge [sflag:s22], $0x4000  }
0x8d: {  	[sflag:s22] =	ssyncset.done $0x0  }
0x8e: {  	[sflag:s22] =	ssyncadd.s32 $0xFFFFC000  }
0x8f: {  	_ =	swait.ge [sflag:s23], $0x80  }
0x90: {  	[sflag:s23] =	ssyncset.done $0x0  }
0x91: {  	[sflag:s23] =	ssyncadd.s32 $0xFFFFFF80  }
0x92: {  	[spmem:s3] =	stream.indirect.scatter.add.f32 [tilespmem:s21], [sflag:$0x3], $0x80, s16, s20, $0xb8;
	[tilespmem:$0x1E900] =	vst v63  }
0x93: {  	s12 =	simm.s32 $0x2780  }
0x94: {  	[tilespmem:s24], [sflag:$0x2] =	stream.indirect.gather [hbm4b:s6+s20], $0x80, s12, s20, $0xb8;
	[tilespmem:$0x1E900] =	vst v63  }
0x95: {  	_ =	swait.ge [sflag:s25], $0x4000  }
0x96: {  	[sflag:s25] =	ssyncset.done $0x0  }
0x97: {  	[sflag:s25] =	ssyncadd.s32 $0xFFFFC000  }
0x98: {  	_ =	swait.ge [sflag:s28], $0x4000  }
0x99: {  	[sflag:s28] =	ssyncset.done $0x0  }
0x9a: {  	[sflag:s28] =	ssyncadd.s32 $0xFFFFC000  }
0x9b: {  	_ =	swait.ge [sflag:s29], $0x80  }
0x9c: {  	[sflag:s29] =	ssyncset.done $0x0  }
0x9d: {  	[sflag:s29] =	ssyncadd.s32 $0xFFFFFF80  }
0x9e: {  	[spmem:s3] =	stream.indirect.scatter.add.f32 [tilespmem:s24], [sflag:$0x4], $0x80, s17, s20, $0xb8;
	[tilespmem:$0x1E900] =	vst v63  }
0x9f: {  	_ =	swait.ge [sflag:s30], $0x4000  }
0xa0: {  	[sflag:s30] =	ssyncset.done $0x0  }
0xa1: {  	[sflag:s30] =	ssyncadd.s32 $0xFFFFC000  }
0xa2: {  	[bflag:$0x0] =	sbarrier.arrive $0xFFFF  }
0xa3: {  	s26 =	rddreg [dreg:$0x6]  }
0xa4: {  	[hbm:s26], [sflag:s18] =	dma.local [spmem:s19], $0x2800  }
0xa5: {  	_ =	swait.ge [sflag:s15], $0x2800  }
0xa6: {  	s1 =	sadd.s32 $0x1, s1;
	s31 =	rddreg [dreg:$0x7]  }
0xa7: {  	p0 =	sne.s32 s1, s31  }
.Ltmp1:
0xa8: {  	_ = 	snop;
	(pc) =	sbr.rel @p0 .LBB2_1-.Ltmp1, $3  }
0xa9: {  	_ =	sdelay $0x1  }
0xaa: {  	[sflag:s15] =	ssyncset.done $0x0  }
0xab: {  	[sflag:s15] =	ssyncadd.s32 $0xFFFFD800  }
0xac: {  	_ =	sfence.sel $0x180000  }
0xad: {  	[bflag:$0x0] =	sbarrier.arrive $0xFFFF  }
0xae: {  	_ =	strace $0x9000004A  }
0xaf: {  	s0 =	stileid.u32;
	[bflag:$0x2] =	sbarrier.arrive $0xFFFF  }
0xb0: {  	p0 =	sne.s32 s0, $0x0;
	s0 =	rddreg [dreg:$0x3]  }
0xb1: {  	s0 =	sadd.s32 @!p0 $0x100000, s0  }
0xb2: {  	[sflag:s0] =	ssyncadd.tile.s32 @!p0 $0x1;
	_ =	shalt  }
.Lfunc_end2:
_tile_overlayer_lowered:
.L_overlay_start_2:
0xb3: {  	(tag) =	ssettag $0x2  }
0xb4: {  	s0 =	rddreg [dreg:$0x0];
	s2 =	stileid.u32  }
0xb5: {  	s1 =	rddreg [dreg:$0x1];
	p0 =	sne.s32 s2, $0x0  }
0xb6: {  	s3 =	rddreg [dreg:$0x2];
	[bflag:$0x3] =	sbarrier.arrive $0xFFFF;
	s2 =	simm.s32 @!p0 $0x1C07  }
0xb7: {  	[timem:s3], [sflag:s2] =	dma.local @!p0 [hbm:s0], s1  }
0xb8: {  	s0 =	simm.s32 @!p0 $0x7  }
0xb9: {  	_ =	swait.ge @!p0 [sflag:s0], s1  }
0xba: {  	s1 =	ssub.s32 @!p0 $0x0, s1;
	[sflag:s0] =	ssyncset.done @!p0 $0x0  }
0xbb: {  	[sflag:s0] =	ssyncadd.s32 @!p0 s1  }
0xbc: {  	[bflag:$0x3] =	sbarrier.arrive $0xFFFF  }
0xbd: {  	_ =	shalt  }

</sc_bundles>
